<compile_context>
chip_gen: v7x
topology: tpu7x:2x2x1
jax: 0.10.2.dev20260603
libtpu: 0.0.44.dev20260713+nightly
codegen_flags: <defaults>
</compile_context>

<pallas_src>
import functools
import jax
import jax.numpy as jnp
from jax import lax
from jax.experimental import pallas as pl
from jax.experimental.pallas import tpu as pltpu
from jax.experimental.pallas import tpu_sc as plsc

_NEG = -100000.0
_G = 128


def _sc_pos_amino(T, B, D):
    NW = 32
    CH = B // NW
    CAP = CH * T + 2 * _G
    NGRP = CH // 16
    mesh = plsc.VectorSubcoreMesh(core_axis_name="c", subcore_axis_name="s")

    @functools.partial(
        pl.kernel, mesh=mesh,
        compiler_params=pltpu.CompilerParams(needs_layout_passes=False),
        out_type=(
            jax.ShapeDtypeStruct((B * T,), jnp.float32),
            jax.ShapeDtypeStruct((B, D), jnp.float32),
        ),
        scratch_types=[
            pltpu.VMEM((CH + 16,), jnp.int32),
            pltpu.VMEM((CH,), jnp.int32),
            pltpu.VMEM((CH + 16,), jnp.int32),
            pltpu.VMEM((CAP,), jnp.int32),
            pltpu.VMEM((CH,), jnp.int32),
            pltpu.VMEM((D,), jnp.float32),
            pltpu.VMEM((16,), jnp.float32),
            pltpu.VMEM((2, _G, D), jnp.float32),
            pltpu.VMEM((CH * T,), jnp.float32),
            pltpu.SemaphoreType.DMA,
            pltpu.SemaphoreType.DMA,
        ],
    )
    def k(lat_hbm, len_hbm, posac_hbm, wbc_hbm, bpos_hbm,
          pos_out_hbm, am_out_hbm,
          len_v, posac_v, pref_v, idx_v, amidx_v, wbc_v, bpos_v,
          rows_v, out_v, sem_a, sem_b):
        wid = lax.axis_index("s") * 2 + lax.axis_index("c")
        base = wid * CH
        iota = lax.iota(jnp.int32, 16)

        pltpu.sync_copy(len_hbm.at[pl.ds(base, CH)], len_v.at[pl.ds(0, CH)])
        pltpu.sync_copy(posac_hbm.at[pl.ds(base, CH)], posac_v)
        pltpu.sync_copy(wbc_hbm, wbc_v)
        pltpu.sync_copy(bpos_hbm, bpos_v)

        negv = jnp.full((16,), _NEG, jnp.float32)

        @plsc.parallel_loop(0, CH * T // 16, unroll=8)
        def _(i):
            out_v[pl.ds(i * 16, 16)] = negv

        def perb(l, p):
            ln = len_v[pl.ds(l, 16)][0]
            bg = base + l
            idx_v[pl.ds(p, 16)] = iota * B + bg
            idx_v[pl.ds(p + 16, 16)] = (iota + 16) * B + bg
            return p + ln
        n_rows = lax.fori_loop(0, CH, perb, 0)

        nc = (n_rows + (_G - 1)) // _G
        sentinel = jnp.full((16,), base, jnp.int32)

        def ztail(j, _):
            idx_v[pl.ds(n_rows + j * 16, 16)] = sentinel
            return 0
        lax.fori_loop(0, _G // 16, ztail, 0)

        bposv = bpos_v[...]

        def fire(c, k_buf, sem):
            src = lat_hbm.at[idx_v.at[pl.ds(c * _G, _G)]]
            pltpu.async_copy(src, rows_v.at[k_buf], sem)

        def wait(k_buf, sem):
            pltpu.make_async_copy(lat_hbm.at[pl.ds(0, _G)],
                                  rows_v.at[k_buf], sem).wait()

        bpos_s = bposv[0]
        ws = [wbc_v[pl.ds(i * 16, 16)] for i in range(D // 16)]
        lane0 = iota == 0

        def compute(c, k_buf):
            rows = rows_v.at[k_buf]

            @plsc.parallel_loop(0, _G, unroll=4)
            def _(r):
                rr = rows.at[r]
                part = ws[0] * rr[pl.ds(0, 16)]
                for i in range(1, D // 16):
                    part = part + ws[i] * rr[pl.ds(i * 16, 16)]
                s = jnp.sum(part) + bpos_s
                iv = idx_v[pl.ds(c * _G + r, 16)][0]
                t = lax.shift_right_logical(iv, 14)
                bl = (iv & (B - 1)) - base
                posn = bl * T + t
                plsc.store_scatter(out_v, [jnp.full((16,), posn, jnp.int32)],
                                   jnp.full((16,), s, jnp.float32), mask=lane0)

        def chunk(c, _):
            @pl.when(c % 2 == 0)
            def _():
                @pl.when(c + 1 < nc)
                def _():
                    fire(c + 1, 1, sem_b)
                wait(0, sem_a)
                compute(c, 0)

            @pl.when(c % 2 == 1)
            def _():
                @pl.when(c + 1 < nc)
                def _():
                    fire(c + 1, 0, sem_a)
                wait(1, sem_b)
                compute(c, 1)
            return 0

        @pl.when(nc > 0)
        def _():
            fire(0, 0, sem_a)
        lax.fori_loop(0, nc, chunk, 0)

        pltpu.sync_copy(out_v, pos_out_hbm.at[pl.ds(base * T, CH * T)])

        def amb(g, _):
            pv = posac_v[pl.ds(g * 16, 16)]
            amidx_v[pl.ds(g * 16, 16)] = pv * B + (base + g * 16) + iota
            return 0
        lax.fori_loop(0, NGRP, amb, 0)
        for q in range(CH // _G):
            src = lat_hbm.at[amidx_v.at[pl.ds(q * _G, _G)]]
            pltpu.async_copy(src, rows_v.at[0], sem_a).wait()
            pltpu.sync_copy(rows_v.at[0],
                            am_out_hbm.at[pl.ds(base + q * _G, _G)])

    return k


def _am_body(feat_ref, pep_ref, pos_ref, wam_ref, bam_ref, out_ref):
    am = jax.lax.dot_general(feat_ref[...], wam_ref[...],
                             (((1,), (1,)), ((), ())),
                             preferred_element_type=jnp.float32)
    am = am + bam_ref[...]
    pos_ac = pos_ref[...]
    pep = pep_ref[...]
    lane_t = jax.lax.broadcasted_iota(jnp.int32, pep.shape, 1)
    pep_sel = jnp.sum(jnp.where(lane_t == pos_ac, pep, 0), axis=1,
                      keepdims=True)
    mask_col = jnp.where(pep_sel == 0, 19, pep_sel - 1)
    k_iota = jax.lax.broadcasted_iota(jnp.int32, am.shape, 1)
    out_ref[...] = jnp.where(k_iota == mask_col, _NEG, am)


def kernel(latent_amino, latent_pep, peptides, alleles, lengths, pretrain,
           actions, W_pos, b_pos, W_amino, b_amino):
    T, B, D = latent_amino.shape
    lat2d = latent_amino.reshape(T * B, D)
    lens = lengths.astype(jnp.int32)
    pos_ac = actions[:, 0].astype(jnp.int32)
    wbc = W_pos.reshape(-1).astype(jnp.float32)
    bposb = jnp.broadcast_to(b_pos.reshape(1), (16,)).astype(jnp.float32)

    pos_flat, amino_feat = _sc_pos_amino(T, B, D)(
        lat2d, lens, pos_ac, wbc, bposb)
    pos_pd = pos_flat.reshape(B, T)

    BB = 2048
    am = pl.pallas_call(
        _am_body,
        grid=(B // BB,),
        in_specs=[
            pl.BlockSpec((BB, D), lambda i: (i, 0)),
            pl.BlockSpec((BB, T), lambda i: (i, 0)),
            pl.BlockSpec((BB, 1), lambda i: (i, 0)),
            pl.BlockSpec((20, D), lambda i: (0, 0)),
            pl.BlockSpec((1, 20), lambda i: (0, 0)),
        ],
        out_specs=pl.BlockSpec((BB, 20), lambda i: (i, 0)),
        out_shape=jax.ShapeDtypeStruct((B, 20), jnp.float32),
    )(amino_feat, peptides.astype(jnp.int32), pos_ac.reshape(B, 1),
      W_amino, b_amino.reshape(1, -1).astype(jnp.float32))
    return (pos_pd, am)

# --- scband reference (transcript-rebuilt; emitter-appended) ---
"""Pipeline reference for scband-peptide-action-net-609885356107 (READ-ONLY COPY).

The authoritative reference and input builder live on the scoring server;
editing this copy changes nothing except your own understanding.
"""

import jax, jax.numpy as jnp
import numpy as np

B = 16384
T = 28
D = 128
NEG = -100000.0

def setup_inputs(seed: int = 0):
    key = jax.random.key(seed)
    ks = jax.random.split(key, 9)
    latent_amino = jax.random.normal(ks[0], (T, B, D), dtype=jnp.float32)
    latent_pep = jax.random.normal(ks[1], (B, D), dtype=jnp.float32)
    peptides = jax.random.randint(ks[2], (B, T), 0, 20)
    alleles = jax.random.normal(ks[3], (B, 64), dtype=jnp.float32)
    lengths = jnp.maximum(jax.random.randint(ks[4], (B,), 0, T), 1)
    actions = jax.random.randint(ks[5], (B, 2), 0, 14)
    W_pos = jax.random.normal(ks[6], (1, D), dtype=jnp.float32) * 0.05
    b_pos = jnp.zeros((1,), dtype=jnp.float32)
    W_amino = jax.random.normal(ks[7], (20, D), dtype=jnp.float32) * 0.05
    b_amino = jnp.zeros((20,), dtype=jnp.float32)
    return {"latent_amino": latent_amino, "latent_pep": latent_pep, "peptides": peptides, "alleles": alleles, "lengths": lengths, "pretrain": 1, "actions": actions, "W_pos": W_pos, "b_pos": b_pos, "W_amino": W_amino, "b_amino": b_amino}

def reference(latent_amino, latent_pep, peptides, alleles, lengths, pretrain, actions, W_pos, b_pos, W_amino, b_amino):
    # pretrain=True path: deterministic, returns (pos_pd, amino_pd)
    Tn, Bn, Dn = latent_amino.shape
    # pack -> linear -> pad with -100000 is equivalent to applying the linear to
    # every timestep and masking t >= lengths[b]
    pos_scores = (latent_amino @ W_pos.T + b_pos[None, None, :]).squeeze(-1)  # [T, B]
    pos_pd = pos_scores.T  # [B, T]
    t_idx = jnp.arange(Tn)[None, :]
    pos_pd = jnp.where(t_idx < lengths[:, None], pos_pd, NEG)
    pos_ac = actions[:, 0]
    # torch.gather(latent_amino, 0, pos_ac expanded) == latent_amino[pos_ac[b], b, :]
    amino_features = latent_amino[pos_ac, jnp.arange(Bn), :]  # [B, D]
    amino_pd = amino_features @ W_amino.T + b_amino[None, :]  # [B, 20]
    mask_amino = peptides[jnp.arange(Bn), pos_ac] - 1
    amino_pd = amino_pd.at[jnp.arange(Bn), mask_amino].set(NEG)
    return (pos_pd, amino_pd)

if False:  # reference __main__ guard neutralized (emitter)
    out = reference(**setup_inputs())
    print(out[0].shape, out[1].shape)

if __name__ == "__main__":
    import jax
    _d = setup_inputs()
    print(jax.jit(kernel)(*tuple(_d.values())))

</pallas_src>

<mosaic_0001>
#map = affine_map<(d0, d1) -> (0, 0)>
#map1 = affine_map<(d0, d1) -> (0)>
module attributes {stable_mosaic.version = 14 : i64} {
  func.func @k(%arg0: i32, %arg1: i32, %arg2: memref<458752x128xf32, #tpu.memory_space<hbm>>, %arg3: memref<16384xi32, #tpu.memory_space<hbm>>, %arg4: memref<16384xi32, #tpu.memory_space<hbm>>, %arg5: memref<128xf32, #tpu.memory_space<hbm>>, %arg6: memref<16xf32, #tpu.memory_space<hbm>>, %arg7: memref<458752xf32, #tpu.memory_space<hbm>>, %arg8: memref<16384x128xf32, #tpu.memory_space<hbm>>, %arg9: memref<528xi32, #tpu.memory_space<vmem>>, %arg10: memref<512xi32, #tpu.memory_space<vmem>>, %arg11: memref<528xi32, #tpu.memory_space<vmem>>, %arg12: memref<14592xi32, #tpu.memory_space<vmem>>, %arg13: memref<512xi32, #tpu.memory_space<vmem>>, %arg14: memref<128xf32, #tpu.memory_space<vmem>>, %arg15: memref<16xf32, #tpu.memory_space<vmem>>, %arg16: memref<2x128x128xf32, #tpu.memory_space<vmem>>, %arg17: memref<14336xf32, #tpu.memory_space<vmem>>, %arg18: memref<!tpu.dma_semaphore, #tpu.memory_space<semaphore_mem>>, %arg19: memref<!tpu.dma_semaphore, #tpu.memory_space<semaphore_mem>>) attributes {dimension_semantics = [#tpu.dimension_semantics<core_parallel>, #tpu.dimension_semantics<subcore_parallel>], iteration_bounds = array<i64: 2, 16>, scalar_prefetch = 0 : i64, scratch_operands = 11 : i64, tpu.core_type = #tpu.core_type<sc_vector_subcore>, window_params = [{transform_indices = #map}, {transform_indices = #map1}, {transform_indices = #map1}, {transform_indices = #map1}, {transform_indices = #map1}, {transform_indices = #map1}, {transform_indices = #map}]} {
    %mul3A = arith.constant 2 : i32
    %mul3A_0 = arith.muli %arg1, %mul3A : i32
    %add3A = arith.addi %mul3A_0, %arg0 : i32
    %mul3A_1 = arith.constant 512 : i32
    %mul3A_2 = arith.muli %add3A, %mul3A_1 : i32
    %iota3A = tpu.iota {dimensions = array<i32: 0>} : vector<16xi32>
    "tpu.region"() ({
      %run_scoped3A_168 = tpu.sem_alloc : memref<!tpu.dma_semaphore, #tpu.memory_space<semaphore_mem>>
      %dma_start3A_169 = arith.constant 0 : i32
      %dma_start3A_170 = tpu.memref_slice %arg9[%dma_start3A_169] : memref<528xi32, #tpu.memory_space<vmem>> -> memref<512xi32, #tpu.memory_space<vmem>>
      %dma_start3A_171 = tpu.memref_slice %arg3[%mul3A_2] : memref<16384xi32, #tpu.memory_space<hbm>> -> memref<512xi32, #tpu.memory_space<hbm>>
      %dma_start3A_172 = arith.constant 0 : i32
      %dma_start3A_173 = tpu.memref_slice %arg9[%dma_start3A_172] : memref<528xi32, #tpu.memory_space<vmem>> -> memref<512xi32, #tpu.memory_space<vmem>>
      %dma_start3A_174 = tpu.memref_slice %arg3[%mul3A_2] : memref<16384xi32, #tpu.memory_space<hbm>> -> memref<512xi32, #tpu.memory_space<hbm>>
      tpu.enqueue_dma source(%dma_start3A_174 : memref<512xi32, #tpu.memory_space<hbm>>) target(%dma_start3A_173 : memref<512xi32, #tpu.memory_space<vmem>>) target_semaphore(%run_scoped3A_168 : memref<!tpu.dma_semaphore, #tpu.memory_space<semaphore_mem>>)
      %dma_wait3A_175 = arith.constant 0 : i32
      %dma_wait3A_176 = tpu.memref_slice %arg9[%dma_wait3A_175] : memref<528xi32, #tpu.memory_space<vmem>> -> memref<512xi32, #tpu.memory_space<vmem>>
      %dma_wait3A_177 = tpu.memref_slice %arg3[%mul3A_2] : memref<16384xi32, #tpu.memory_space<hbm>> -> memref<512xi32, #tpu.memory_space<hbm>>
      %dma_wait3A_178 = arith.constant 0 : i32
      %dma_wait3A_179 = tpu.memref_slice %arg9[%dma_wait3A_178] : memref<528xi32, #tpu.memory_space<vmem>> -> memref<512xi32, #tpu.memory_space<vmem>>
      %dma_wait3A_180 = tpu.memref_slice %arg3[%mul3A_2] : memref<16384xi32, #tpu.memory_space<hbm>> -> memref<512xi32, #tpu.memory_space<hbm>>
      tpu.wait_dma2 semaphore(%run_scoped3A_168 : memref<!tpu.dma_semaphore, #tpu.memory_space<semaphore_mem>>) src(%dma_wait3A_180 : memref<512xi32, #tpu.memory_space<hbm>>) dst(%dma_wait3A_179 : memref<512xi32, #tpu.memory_space<vmem>>)
      tpu.yield
    }) : () -> ()
    "tpu.region"() ({
      %run_scoped3A_168 = tpu.sem_alloc : memref<!tpu.dma_semaphore, #tpu.memory_space<semaphore_mem>>
      %dma_start3A_169 = tpu.memref_slice %arg4[%mul3A_2] : memref<16384xi32, #tpu.memory_space<hbm>> -> memref<512xi32, #tpu.memory_space<hbm>>
      %dma_start3A_170 = tpu.memref_slice %arg4[%mul3A_2] : memref<16384xi32, #tpu.memory_space<hbm>> -> memref<512xi32, #tpu.memory_space<hbm>>
      tpu.enqueue_dma source(%dma_start3A_170 : memref<512xi32, #tpu.memory_space<hbm>>) target(%arg10 : memref<512xi32, #tpu.memory_space<vmem>>) target_semaphore(%run_scoped3A_168 : memref<!tpu.dma_semaphore, #tpu.memory_space<semaphore_mem>>)
      %dma_wait3A_171 = tpu.memref_slice %arg4[%mul3A_2] : memref<16384xi32, #tpu.memory_space<hbm>> -> memref<512xi32, #tpu.memory_space<hbm>>
      %dma_wait3A_172 = tpu.memref_slice %arg4[%mul3A_2] : memref<16384xi32, #tpu.memory_space<hbm>> -> memref<512xi32, #tpu.memory_space<hbm>>
      tpu.wait_dma2 semaphore(%run_scoped3A_168 : memref<!tpu.dma_semaphore, #tpu.memory_space<semaphore_mem>>) src(%dma_wait3A_172 : memref<512xi32, #tpu.memory_space<hbm>>) dst(%arg10 : memref<512xi32, #tpu.memory_space<vmem>>)
      tpu.yield
    }) : () -> ()
    "tpu.region"() ({
      %run_scoped3A_168 = tpu.sem_alloc : memref<!tpu.dma_semaphore, #tpu.memory_space<semaphore_mem>>
      tpu.enqueue_dma source(%arg5 : memref<128xf32, #tpu.memory_space<hbm>>) target(%arg14 : memref<128xf32, #tpu.memory_space<vmem>>) target_semaphore(%run_scoped3A_168 : memref<!tpu.dma_semaphore, #tpu.memory_space<semaphore_mem>>)
      tpu.wait_dma2 semaphore(%run_scoped3A_168 : memref<!tpu.dma_semaphore, #tpu.memory_space<semaphore_mem>>) src(%arg5 : memref<128xf32, #tpu.memory_space<hbm>>) dst(%arg14 : memref<128xf32, #tpu.memory_space<vmem>>)
      tpu.yield
    }) : () -> ()
    "tpu.region"() ({
      %run_scoped3A_168 = tpu.sem_alloc : memref<!tpu.dma_semaphore, #tpu.memory_space<semaphore_mem>>
      tpu.enqueue_dma source(%arg6 : memref<16xf32, #tpu.memory_space<hbm>>) target(%arg15 : memref<16xf32, #tpu.memory_space<vmem>>) target_semaphore(%run_scoped3A_168 : memref<!tpu.dma_semaphore, #tpu.memory_space<semaphore_mem>>)
      tpu.wait_dma2 semaphore(%run_scoped3A_168 : memref<!tpu.dma_semaphore, #tpu.memory_space<semaphore_mem>>) src(%arg6 : memref<16xf32, #tpu.memory_space<hbm>>) dst(%arg15 : memref<16xf32, #tpu.memory_space<vmem>>)
      tpu.yield
    }) : () -> ()
    %broadcast_in_dim3A = arith.constant -1.000000e+05 : f32
    %broadcast_in_dim3A_3 = vector.broadcast %broadcast_in_dim3A : f32 to vector<16xf32>
    %parallel_loop3A = arith.constant 0 : i32
    %parallel_loop3A_4 = arith.constant 896 : i32
    %parallel_loop3A_5 = arith.constant 1 : i32
    scf.for %parallel_loop3A_168 = %parallel_loop3A to %parallel_loop3A_4 step %parallel_loop3A_5  : i32 {
      %parallel_loop3A_169 = arith.constant 16 : i32
      %parallel_loop3A_170 = arith.muli %parallel_loop3A_168, %parallel_loop3A_169 : i32
      %parallel_loop3A_171 = arith.index_cast %parallel_loop3A_170 : i32 to index
      %parallel_loop3A_172 = tpu.vector_load %arg17[%parallel_loop3A_171] {strides = array<i32>} : memref<14336xf32, #tpu.memory_space<vmem>>, vector<16xf32>,
      tpu.vector_store %arg17[%parallel_loop3A_171], %broadcast_in_dim3A_3 {strides = array<i32>} : memref<14336xf32, #tpu.memory_space<vmem>>, vector<16xf32>,
    } {sc.loop_unroll_factor = 8 : i64, sc.parallel_access}
    %scan3A = arith.constant 0 : i32
    %scan3A_6 = arith.constant 0 : i32
    %scan3A_7 = arith.constant 512 : i32
    %scan3A_8 = arith.addi %scan3A_6, %scan3A_7 : i32
    %scan3A_9 = arith.constant 1 : i32
    %scan3A_10 = scf.for %scan3A_168 = %scan3A_6 to %scan3A_8 step %scan3A_9 iter_args(%scan3A_169 = %scan3A) -> (i32)  : i32 {
      %get3A_170 = arith.index_cast %scan3A_168 : i32 to index
      %get3A_171 = tpu.vector_load %arg9[%get3A_170] {strides = array<i32>} : memref<528xi32, #tpu.memory_space<vmem>>, vector<16xi32>,
      %slice3A_172 = vector.extract_strided_slice %get3A_171 {offsets = [0], sizes = [1], strides = [1]} : vector<16xi32> to vector<1xi32>
      %squeeze3A_173 = vector.extract %slice3A_172[0] : i32 from vector<1xi32>
      %add3A_174 = arith.addi %mul3A_2, %scan3A_168 : i32
      %mul3A_175 = arith.constant 16384 : i32
      %mul3A_176 = vector.broadcast %mul3A_175 : i32 to vector<16xi32>
      %mul3A_177 = arith.muli %iota3A, %mul3A_176 : vector<16xi32>
      %add3A_178 = vector.broadcast %add3A_174 : i32 to vector<16xi32>
      %add3A_179 = arith.addi %mul3A_177, %add3A_178 : vector<16xi32>
      %swap3A = arith.index_cast %scan3A_169 : i32 to index
      %swap3A_180 = tpu.vector_load %arg12[%swap3A] {strides = array<i32>} : memref<14592xi32, #tpu.memory_space<vmem>>, vector<16xi32>,
      tpu.vector_store %arg12[%swap3A], %add3A_179 {strides = array<i32>} : memref<14592xi32, #tpu.memory_space<vmem>>, vector<16xi32>,
      %add3A_181 = arith.constant 16 : i32
      %add3A_182 = vector.broadcast %add3A_181 : i32 to vector<16xi32>
      %add3A_183 = arith.addi %iota3A, %add3A_182 : vector<16xi32>
      %mul3A_184 = arith.constant 16384 : i32
      %mul3A_185 = vector.broadcast %mul3A_184 : i32 to vector<16xi32>
      %mul3A_186 = arith.muli %add3A_183, %mul3A_185 : vector<16xi32>
      %add3A_187 = vector.broadcast %add3A_174 : i32 to vector<16xi32>
      %add3A_188 = arith.addi %mul3A_186, %add3A_187 : vector<16xi32>
      %add3A_189 = arith.constant 16 : i32
      %add3A_190 = arith.addi %scan3A_169, %add3A_189 : i32
      %swap3A_191 = arith.index_cast %add3A_190 : i32 to index
      %swap3A_192 = tpu.vector_load %arg12[%swap3A_191] {strides = array<i32>} : memref<14592xi32, #tpu.memory_space<vmem>>, vector<16xi32>,
      tpu.vector_store %arg12[%swap3A_191], %add3A_188 {strides = array<i32>} : memref<14592xi32, #tpu.memory_space<vmem>>, vector<16xi32>,
      %add3A_193 = arith.addi %scan3A_169, %squeeze3A_173 : i32
      scf.yield %add3A_193 : i32
    }
    %scan3A_11 = arith.constant 512 : i32
    %add3A_12 = arith.constant 127 : i32
    %add3A_13 = arith.addi %scan3A_10, %add3A_12 : i32
    %jit3A = arith.constant 128 : i32
    %div3A = arith.divsi %add3A_13, %jit3A : i32
    %sign3A = arith.constant 0 : i32
    %sign3A_14 = arith.cmpi sgt, %add3A_13, %sign3A : i32
    %sign3A_15 = arith.extui %sign3A_14 : i1 to i32
    %sign3A_16 = arith.constant 0 : i32
    %sign3A_17 = arith.cmpi slt, %add3A_13, %sign3A_16 : i32
    %sign3A_18 = arith.extui %sign3A_17 : i1 to i32
    %sign3A_19 = arith.subi %sign3A_15, %sign3A_18 : i32
    %sign3A_20 = arith.constant 0 : i32
    %sign3A_21 = arith.cmpi sgt, %jit3A, %sign3A_20 : i32
    %sign3A_22 = arith.extui %sign3A_21 : i1 to i32
    %sign3A_23 = arith.constant 0 : i32
    %sign3A_24 = arith.cmpi slt, %jit3A, %sign3A_23 : i32
    %sign3A_25 = arith.extui %sign3A_24 : i1 to i32
    %sign3A_26 = arith.subi %sign3A_22, %sign3A_25 : i32
    %ne3A = arith.cmpi ne, %sign3A_19, %sign3A_26 : i32
    %rem3A = arith.remsi %add3A_13, %jit3A : i32
    %ne3A_27 = arith.constant 0 : i32
    %ne3A_28 = arith.cmpi ne, %rem3A, %ne3A_27 : i32
    %and3A = arith.andi %ne3A, %ne3A_28 : i1
    %sub3A = arith.constant 1 : i32
    %sub3A_29 = arith.subi %div3A, %sub3A : i32
    %select_n3A = arith.select %and3A, %sub3A_29, %div3A : i32
    %broadcast_in_dim3A_30 = vector.broadcast %mul3A_2 : i32 to vector<16xi32>
    %scan3A_31 = arith.constant 0 : i32
    %scan3A_32 = arith.constant 0 : i32
    %scan3A_33 = arith.constant 8 : i32
    %scan3A_34 = arith.addi %scan3A_32, %scan3A_33 : i32
    %scan3A_35 = arith.constant 1 : i32
    %scan3A_36 = scf.for %scan3A_168 = %scan3A_32 to %scan3A_34 step %scan3A_35 iter_args(%scan3A_169 = %scan3A_31) -> (i32)  : i32 {
      %mul3A_170 = arith.constant 16 : i32
      %mul3A_171 = arith.muli %scan3A_168, %mul3A_170 : i32
      %add3A_172 = arith.addi %scan3A_10, %mul3A_171 : i32
      %swap3A = arith.index_cast %add3A_172 : i32 to index
      %swap3A_173 = tpu.vector_load %arg12[%swap3A] {strides = array<i32>} : memref<14592xi32, #tpu.memory_space<vmem>>, vector<16xi32>,
      tpu.vector_store %arg12[%swap3A], %broadcast_in_dim3A_30 {strides = array<i32>} : memref<14592xi32, #tpu.memory_space<vmem>>, vector<16xi32>,
      %scan3A_174 = arith.constant 0 : i32
      scf.yield %scan3A_174 : i32
    }
    %scan3A_37 = arith.constant 8 : i32
    %get3A = arith.constant 0 : index
    %get3A_38 = tpu.vector_load %arg15[%get3A] {strides = array<i32>} : memref<16xf32, #tpu.memory_space<vmem>>, vector<16xf32>,
    %slice3A = vector.extract_strided_slice %get3A_38 {offsets = [0], sizes = [1], strides = [1]} : vector<16xf32> to vector<1xf32>
    %squeeze3A = vector.extract %slice3A[0] : f32 from vector<1xf32>
    %get3A_39 = arith.constant 0 : index
    %get3A_40 = tpu.vector_load %arg14[%get3A_39] {strides = array<i32>} : memref<128xf32, #tpu.memory_space<vmem>>, vector<16xf32>,
    %get3A_41 = arith.constant 16 : index
    %get3A_42 = tpu.vector_load %arg14[%get3A_41] {strides = array<i32>} : memref<128xf32, #tpu.memory_space<vmem>>, vector<16xf32>,
    %get3A_43 = arith.constant 32 : index
    %get3A_44 = tpu.vector_load %arg14[%get3A_43] {strides = array<i32>} : memref<128xf32, #tpu.memory_space<vmem>>, vector<16xf32>,
    %get3A_45 = arith.constant 48 : index
    %get3A_46 = tpu.vector_load %arg14[%get3A_45] {strides = array<i32>} : memref<128xf32, #tpu.memory_space<vmem>>, vector<16xf32>,
    %get3A_47 = arith.constant 64 : index
    %get3A_48 = tpu.vector_load %arg14[%get3A_47] {strides = array<i32>} : memref<128xf32, #tpu.memory_space<vmem>>, vector<16xf32>,
    %get3A_49 = arith.constant 80 : index
    %get3A_50 = tpu.vector_load %arg14[%get3A_49] {strides = array<i32>} : memref<128xf32, #tpu.memory_space<vmem>>, vector<16xf32>,
    %get3A_51 = arith.constant 96 : index
    %get3A_52 = tpu.vector_load %arg14[%get3A_51] {strides = array<i32>} : memref<128xf32, #tpu.memory_space<vmem>>, vector<16xf32>,
    %get3A_53 = arith.constant 112 : index
    %get3A_54 = tpu.vector_load %arg14[%get3A_53] {strides = array<i32>} : memref<128xf32, #tpu.memory_space<vmem>>, vector<16xf32>,
    %eq3A = arith.constant 0 : i32
    %eq3A_55 = vector.broadcast %eq3A : i32 to vector<16xi32>
    %eq3A_56 = arith.cmpi eq, %iota3A, %eq3A_55 : vector<16xi32>
    %gt3A = arith.constant 0 : i32
    %gt3A_57 = arith.cmpi sgt, %select_n3A, %gt3A : i32
    %convert_element_type3A = arith.extui %gt3A_57 : i1 to i32
    %cond3A = arith.constant 0 : i32
    %cond3A_58 = arith.cmpi ne, %convert_element_type3A, %cond3A : i32
    scf.if %cond3A_58 {
      %dma_start3A_168 = arith.constant 0 : i32
      %dma_start3A_169 = arith.constant 0 : i32
      %dma_start3A_170 = arith.constant 0 : i32
      %dma_start3A_171 = tpu.memref_slice %arg16[%dma_start3A_168, %dma_start3A_169, %dma_start3A_170] : memref<2x128x128xf32, #tpu.memory_space<vmem>> -> memref<1x128x128xf32, #tpu.memory_space<vmem>>
      %dma_start3A_172 = tpu.memref_squeeze %dma_start3A_171 : memref<1x128x128xf32, #tpu.memory_space<vmem>> -> memref<128x128xf32, #tpu.memory_space<vmem>>
      %dma_start3A_173 = arith.constant 0 : i32
      %dma_start3A_174 = tpu.memref_slice %arg12[%dma_start3A_173] : memref<14592xi32, #tpu.memory_space<vmem>> -> memref<128xi32, #tpu.memory_space<vmem>>
      %dma_start3A_175 = arith.constant 0 : i32
      %dma_start3A_176 = arith.constant 0 : i32
      %dma_start3A_177 = tpu.memref_slice %arg2[%dma_start3A_175, %dma_start3A_176] : memref<458752x128xf32, #tpu.memory_space<hbm>> -> memref<458752x128xf32, #tpu.memory_space<hbm>>
      tpu.enqueue_indirect_dma source(%dma_start3A_177 : memref<458752x128xf32, #tpu.memory_space<hbm>>) target(%dma_start3A_172 : memref<128x128xf32, #tpu.memory_space<vmem>>) offsets(%dma_start3A_174 : memref<128xi32, #tpu.memory_space<vmem>>) semaphore(%arg18 : memref<!tpu.dma_semaphore, #tpu.memory_space<semaphore_mem>>)
    } else {
    }
    %while3A = arith.constant 0 : i32
    %while3A_59 = arith.constant 0 : i32
    %while3A_60 = arith.subi %select_n3A, %while3A : i32
    %while3A_61 = arith.addi %while3A, %while3A_60 : i32
    %while3A_62 = arith.constant 1 : i32
    %while3A_63 = arith.divsi %while3A_60, %while3A_62 : i32
    %while3A_64 = arith.muli %while3A_63, %while3A_62 : i32
    %while3A_65 = arith.addi %while3A, %while3A_64 : i32
    %while3A_66 = arith.constant 1 : i32
    %while3A_67 = scf.for %while3A_168 = %while3A to %while3A_65 step %while3A_66 iter_args(%while3A_169 = %while3A_59) -> (i32)  : i32 {
      %jit3A_170 = arith.constant 2 : i32
      %eq3A_171 = arith.constant 0 : i32
      %eq3A_172 = arith.cmpi eq, %jit3A_170, %eq3A_171 : i32
      %jit3A_173 = arith.constant 1 : i32
      %select_n3A_174 = arith.select %eq3A_172, %jit3A_173, %jit3A_170 : i32
      %rem3A_175 = arith.remsi %while3A_168, %select_n3A_174 : i32
      %ne3A_176 = arith.constant 0 : i32
      %ne3A_177 = arith.cmpi ne, %rem3A_175, %ne3A_176 : i32
      %lt3A = arith.constant 0 : i32
      %lt3A_178 = arith.cmpi slt, %rem3A_175, %lt3A : i32
      %lt3A_179 = arith.constant 0 : i32
      %lt3A_180 = arith.cmpi slt, %select_n3A_174, %lt3A_179 : i32
      %ne3A_181 = arith.xori %lt3A_178, %lt3A_180 : i1
      %and3A_182 = arith.andi %ne3A_181, %ne3A_177 : i1
      %add3A_183 = arith.addi %rem3A_175, %select_n3A_174 : i32
      %select_n3A_184 = arith.select %and3A_182, %add3A_183, %rem3A_175 : i32
      %eq3A_185 = arith.constant 0 : i32
      %eq3A_186 = arith.cmpi eq, %select_n3A_184, %eq3A_185 : i32
      %convert_element_type3A_187 = arith.extui %eq3A_186 : i1 to i32
      %cond3A_188 = arith.constant 0 : i32
      %cond3A_189 = arith.cmpi ne, %convert_element_type3A_187, %cond3A_188 : i32
      scf.if %cond3A_189 {
        %add3A_212 = arith.constant 1 : i32
        %add3A_213 = arith.addi %while3A_168, %add3A_212 : i32
        %lt3A_214 = arith.cmpi slt, %add3A_213, %select_n3A : i32
        %convert_element_type3A_215 = arith.extui %lt3A_214 : i1 to i32
        %cond3A_216 = arith.constant 0 : i32
        %cond3A_217 = arith.cmpi ne, %convert_element_type3A_215, %cond3A_216 : i32
        scf.if %cond3A_217 {
          %add3A_237 = arith.constant 1 : i32
          %add3A_238 = arith.addi %while3A_168, %add3A_237 : i32
          %mul3A_239 = arith.constant 128 : i32
          %mul3A_240 = arith.muli %add3A_238, %mul3A_239 : i32
          %dma_start3A_241 = arith.constant 1 : i32
          %dma_start3A_242 = arith.constant 0 : i32
          %dma_start3A_243 = arith.constant 0 : i32
          %dma_start3A_244 = tpu.memref_slice %arg16[%dma_start3A_241, %dma_start3A_242, %dma_start3A_243] : memref<2x128x128xf32, #tpu.memory_space<vmem>> -> memref<1x128x128xf32, #tpu.memory_space<vmem>>
          %dma_start3A_245 = tpu.memref_squeeze %dma_start3A_244 : memref<1x128x128xf32, #tpu.memory_space<vmem>> -> memref<128x128xf32, #tpu.memory_space<vmem>>
          %dma_start3A_246 = tpu.memref_slice %arg12[%mul3A_240] : memref<14592xi32, #tpu.memory_space<vmem>> -> memref<128xi32, #tpu.memory_space<vmem>>
          %dma_start3A_247 = arith.constant 0 : i32
          %dma_start3A_248 = arith.constant 0 : i32
          %dma_start3A_249 = tpu.memref_slice %arg2[%dma_start3A_247, %dma_start3A_248] : memref<458752x128xf32, #tpu.memory_space<hbm>> -> memref<458752x128xf32, #tpu.memory_space<hbm>>
          tpu.enqueue_indirect_dma source(%dma_start3A_249 : memref<458752x128xf32, #tpu.memory_space<hbm>>) target(%dma_start3A_245 : memref<128x128xf32, #tpu.memory_space<vmem>>) offsets(%dma_start3A_246 : memref<128xi32, #tpu.memory_space<vmem>>) semaphore(%arg19 : memref<!tpu.dma_semaphore, #tpu.memory_space<semaphore_mem>>)
        } else {
        }
        %dma_wait3A_218 = arith.constant 0 : i32
        %dma_wait3A_219 = arith.constant 0 : i32
        %dma_wait3A_220 = arith.constant 0 : i32
        %dma_wait3A_221 = tpu.memref_slice %arg16[%dma_wait3A_218, %dma_wait3A_219, %dma_wait3A_220] : memref<2x128x128xf32, #tpu.memory_space<vmem>> -> memref<1x128x128xf32, #tpu.memory_space<vmem>>
        %dma_wait3A_222 = tpu.memref_squeeze %dma_wait3A_221 : memref<1x128x128xf32, #tpu.memory_space<vmem>> -> memref<128x128xf32, #tpu.memory_space<vmem>>
        %dma_wait3A_223 = arith.constant 0 : i32
        %dma_wait3A_224 = arith.constant 0 : i32
        %dma_wait3A_225 = tpu.memref_slice %arg2[%dma_wait3A_223, %dma_wait3A_224] : memref<458752x128xf32, #tpu.memory_space<hbm>> -> memref<128x128xf32, #tpu.memory_space<hbm>>
        %dma_wait3A_226 = arith.constant 0 : i32
        %dma_wait3A_227 = arith.constant 0 : i32
        %dma_wait3A_228 = tpu.memref_slice %arg16[%dma_wait3A_218, %dma_wait3A_226, %dma_wait3A_227] : memref<2x128x128xf32, #tpu.memory_space<vmem>> -> memref<1x128x128xf32, #tpu.memory_space<vmem>>
        %dma_wait3A_229 = tpu.memref_squeeze %dma_wait3A_228 : memref<1x128x128xf32, #tpu.memory_space<vmem>> -> memref<128x128xf32, #tpu.memory_space<vmem>>
        %dma_wait3A_230 = arith.constant 0 : i32
        %dma_wait3A_231 = arith.constant 0 : i32
        %dma_wait3A_232 = tpu.memref_slice %arg2[%dma_wait3A_230, %dma_wait3A_231] : memref<458752x128xf32, #tpu.memory_space<hbm>> -> memref<128x128xf32, #tpu.memory_space<hbm>>
        tpu.wait_dma2 semaphore(%arg18 : memref<!tpu.dma_semaphore, #tpu.memory_space<semaphore_mem>>) src(%dma_wait3A_232 : memref<128x128xf32, #tpu.memory_space<hbm>>) dst(%dma_wait3A_229 : memref<128x128xf32, #tpu.memory_space<vmem>>)
        %parallel_loop3A_233 = arith.constant 0 : i32
        %parallel_loop3A_234 = arith.constant 128 : i32
        %parallel_loop3A_235 = arith.constant 1 : i32
        %parallel_loop3A_236 = arith.constant 0 : i32
        scf.for %parallel_loop3A_237 = %parallel_loop3A_233 to %parallel_loop3A_234 step %parallel_loop3A_235  : i32 {
          %parallel_loop3A_238 = arith.constant 0 : i32
          %parallel_loop3A_239 = arith.constant 0 : i32
          %parallel_loop3A_240 = tpu.memref_slice %arg16[%parallel_loop3A_236, %parallel_loop3A_238, %parallel_loop3A_239] : memref<2x128x128xf32, #tpu.memory_space<vmem>> -> memref<1x128x128xf32, #tpu.memory_space<vmem>>
          %parallel_loop3A_241 = tpu.memref_squeeze %parallel_loop3A_240 : memref<1x128x128xf32, #tpu.memory_space<vmem>> -> memref<128x128xf32, #tpu.memory_space<vmem>>
          %parallel_loop3A_242 = arith.constant 0 : i32
          %parallel_loop3A_243 = tpu.memref_slice %parallel_loop3A_241[%parallel_loop3A_237, %parallel_loop3A_242] : memref<128x128xf32, #tpu.memory_space<vmem>> -> memref<1x128xf32, #tpu.memory_space<vmem>>
          %parallel_loop3A_244 = tpu.memref_squeeze %parallel_loop3A_243 : memref<1x128xf32, #tpu.memory_space<vmem>> -> memref<128xf32, #tpu.memory_space<vmem>>
          %parallel_loop3A_245 = arith.constant 0 : index
          %parallel_loop3A_246 = tpu.vector_load %parallel_loop3A_244[%parallel_loop3A_245] {strides = array<i32>} : memref<128xf32, #tpu.memory_space<vmem>>, vector<16xf32>,
          %parallel_loop3A_247 = arith.mulf %get3A_40, %parallel_loop3A_246 : vector<16xf32>
          %parallel_loop3A_248 = arith.constant 0 : i32
          %parallel_loop3A_249 = arith.constant 0 : i32
          %parallel_loop3A_250 = tpu.memref_slice %arg16[%parallel_loop3A_236, %parallel_loop3A_248, %parallel_loop3A_249] : memref<2x128x128xf32, #tpu.memory_space<vmem>> -> memref<1x128x128xf32, #tpu.memory_space<vmem>>
          %parallel_loop3A_251 = tpu.memref_squeeze %parallel_loop3A_250 : memref<1x128x128xf32, #tpu.memory_space<vmem>> -> memref<128x128xf32, #tpu.memory_space<vmem>>
          %parallel_loop3A_252 = arith.constant 0 : i32
          %parallel_loop3A_253 = tpu.memref_slice %parallel_loop3A_251[%parallel_loop3A_237, %parallel_loop3A_252] : memref<128x128xf32, #tpu.memory_space<vmem>> -> memref<1x128xf32, #tpu.memory_space<vmem>>
          %parallel_loop3A_254 = tpu.memref_squeeze %parallel_loop3A_253 : memref<1x128xf32, #tpu.memory_space<vmem>> -> memref<128xf32, #tpu.memory_space<vmem>>
          %parallel_loop3A_255 = arith.constant 16 : index
          %parallel_loop3A_256 = tpu.vector_load %parallel_loop3A_254[%parallel_loop3A_255] {strides = array<i32>} : memref<128xf32, #tpu.memory_space<vmem>>, vector<16xf32>,
          %parallel_loop3A_257 = arith.mulf %get3A_42, %parallel_loop3A_256 : vector<16xf32>
          %parallel_loop3A_258 = arith.addf %parallel_loop3A_247, %parallel_loop3A_257 : vector<16xf32>
          %parallel_loop3A_259 = arith.constant 0 : i32
          %parallel_loop3A_260 = arith.constant 0 : i32
          %parallel_loop3A_261 = tpu.memref_slice %arg16[%parallel_loop3A_236, %parallel_loop3A_259, %parallel_loop3A_260] : memref<2x128x128xf32, #tpu.memory_space<vmem>> -> memref<1x128x128xf32, #tpu.memory_space<vmem>>
          %parallel_loop3A_262 = tpu.memref_squeeze %parallel_loop3A_261 : memref<1x128x128xf32, #tpu.memory_space<vmem>> -> memref<128x128xf32, #tpu.memory_space<vmem>>
          %parallel_loop3A_263 = arith.constant 0 : i32
          %parallel_loop3A_264 = tpu.memref_slice %parallel_loop3A_262[%parallel_loop3A_237, %parallel_loop3A_263] : memref<128x128xf32, #tpu.memory_space<vmem>> -> memref<1x128xf32, #tpu.memory_space<vmem>>
          %parallel_loop3A_265 = tpu.memref_squeeze %parallel_loop3A_264 : memref<1x128xf32, #tpu.memory_space<vmem>> -> memref<128xf32, #tpu.memory_space<vmem>>
          %parallel_loop3A_266 = arith.constant 32 : index
          %parallel_loop3A_267 = tpu.vector_load %parallel_loop3A_265[%parallel_loop3A_266] {strides = array<i32>} : memref<128xf32, #tpu.memory_space<vmem>>, vector<16xf32>,
          %parallel_loop3A_268 = arith.mulf %get3A_44, %parallel_loop3A_267 : vector<16xf32>
          %parallel_loop3A_269 = arith.addf %parallel_loop3A_258, %parallel_loop3A_268 : vector<16xf32>
          %parallel_loop3A_270 = arith.constant 0 : i32
          %parallel_loop3A_271 = arith.constant 0 : i32
          %parallel_loop3A_272 = tpu.memref_slice %arg16[%parallel_loop3A_236, %parallel_loop3A_270, %parallel_loop3A_271] : memref<2x128x128xf32, #tpu.memory_space<vmem>> -> memref<1x128x128xf32, #tpu.memory_space<vmem>>
          %parallel_loop3A_273 = tpu.memref_squeeze %parallel_loop3A_272 : memref<1x128x128xf32, #tpu.memory_space<vmem>> -> memref<128x128xf32, #tpu.memory_space<vmem>>
          %parallel_loop3A_274 = arith.constant 0 : i32
          %parallel_loop3A_275 = tpu.memref_slice %parallel_loop3A_273[%parallel_loop3A_237, %parallel_loop3A_274] : memref<128x128xf32, #tpu.memory_space<vmem>> -> memref<1x128xf32, #tpu.memory_space<vmem>>
          %parallel_loop3A_276 = tpu.memref_squeeze %parallel_loop3A_275 : memref<1x128xf32, #tpu.memory_space<vmem>> -> memref<128xf32, #tpu.memory_space<vmem>>
          %parallel_loop3A_277 = arith.constant 48 : index
          %parallel_loop3A_278 = tpu.vector_load %parallel_loop3A_276[%parallel_loop3A_277] {strides = array<i32>} : memref<128xf32, #tpu.memory_space<vmem>>, vector<16xf32>,
          %parallel_loop3A_279 = arith.mulf %get3A_46, %parallel_loop3A_278 : vector<16xf32>
          %parallel_loop3A_280 = arith.addf %parallel_loop3A_269, %parallel_loop3A_279 : vector<16xf32>
          %parallel_loop3A_281 = arith.constant 0 : i32
          %parallel_loop3A_282 = arith.constant 0 : i32
          %parallel_loop3A_283 = tpu.memref_slice %arg16[%parallel_loop3A_236, %parallel_loop3A_281, %parallel_loop3A_282] : memref<2x128x128xf32, #tpu.memory_space<vmem>> -> memref<1x128x128xf32, #tpu.memory_space<vmem>>
          %parallel_loop3A_284 = tpu.memref_squeeze %parallel_loop3A_283 : memref<1x128x128xf32, #tpu.memory_space<vmem>> -> memref<128x128xf32, #tpu.memory_space<vmem>>
          %parallel_loop3A_285 = arith.constant 0 : i32
          %parallel_loop3A_286 = tpu.memref_slice %parallel_loop3A_284[%parallel_loop3A_237, %parallel_loop3A_285] : memref<128x128xf32, #tpu.memory_space<vmem>> -> memref<1x128xf32, #tpu.memory_space<vmem>>
          %parallel_loop3A_287 = tpu.memref_squeeze %parallel_loop3A_286 : memref<1x128xf32, #tpu.memory_space<vmem>> -> memref<128xf32, #tpu.memory_space<vmem>>
          %parallel_loop3A_288 = arith.constant 64 : index
          %parallel_loop3A_289 = tpu.vector_load %parallel_loop3A_287[%parallel_loop3A_288] {strides = array<i32>} : memref<128xf32, #tpu.memory_space<vmem>>, vector<16xf32>,
          %parallel_loop3A_290 = arith.mulf %get3A_48, %parallel_loop3A_289 : vector<16xf32>
          %parallel_loop3A_291 = arith.addf %parallel_loop3A_280, %parallel_loop3A_290 : vector<16xf32>
          %parallel_loop3A_292 = arith.constant 0 : i32
          %parallel_loop3A_293 = arith.constant 0 : i32
          %parallel_loop3A_294 = tpu.memref_slice %arg16[%parallel_loop3A_236, %parallel_loop3A_292, %parallel_loop3A_293] : memref<2x128x128xf32, #tpu.memory_space<vmem>> -> memref<1x128x128xf32, #tpu.memory_space<vmem>>
          %parallel_loop3A_295 = tpu.memref_squeeze %parallel_loop3A_294 : memref<1x128x128xf32, #tpu.memory_space<vmem>> -> memref<128x128xf32, #tpu.memory_space<vmem>>
          %parallel_loop3A_296 = arith.constant 0 : i32
          %parallel_loop3A_297 = tpu.memref_slice %parallel_loop3A_295[%parallel_loop3A_237, %parallel_loop3A_296] : memref<128x128xf32, #tpu.memory_space<vmem>> -> memref<1x128xf32, #tpu.memory_space<vmem>>
          %parallel_loop3A_298 = tpu.memref_squeeze %parallel_loop3A_297 : memref<1x128xf32, #tpu.memory_space<vmem>> -> memref<128xf32, #tpu.memory_space<vmem>>
          %parallel_loop3A_299 = arith.constant 80 : index
          %parallel_loop3A_300 = tpu.vector_load %parallel_loop3A_298[%parallel_loop3A_299] {strides = array<i32>} : memref<128xf32, #tpu.memory_space<vmem>>, vector<16xf32>,
          %parallel_loop3A_301 = arith.mulf %get3A_50, %parallel_loop3A_300 : vector<16xf32>
          %parallel_loop3A_302 = arith.addf %parallel_loop3A_291, %parallel_loop3A_301 : vector<16xf32>
          %parallel_loop3A_303 = arith.constant 0 : i32
          %parallel_loop3A_304 = arith.constant 0 : i32
          %parallel_loop3A_305 = tpu.memref_slice %arg16[%parallel_loop3A_236, %parallel_loop3A_303, %parallel_loop3A_304] : memref<2x128x128xf32, #tpu.memory_space<vmem>> -> memref<1x128x128xf32, #tpu.memory_space<vmem>>
          %parallel_loop3A_306 = tpu.memref_squeeze %parallel_loop3A_305 : memref<1x128x128xf32, #tpu.memory_space<vmem>> -> memref<128x128xf32, #tpu.memory_space<vmem>>
          %parallel_loop3A_307 = arith.constant 0 : i32
          %parallel_loop3A_308 = tpu.memref_slice %parallel_loop3A_306[%parallel_loop3A_237, %parallel_loop3A_307] : memref<128x128xf32, #tpu.memory_space<vmem>> -> memref<1x128xf32, #tpu.memory_space<vmem>>
          %parallel_loop3A_309 = tpu.memref_squeeze %parallel_loop3A_308 : memref<1x128xf32, #tpu.memory_space<vmem>> -> memref<128xf32, #tpu.memory_space<vmem>>
          %parallel_loop3A_310 = arith.constant 96 : index
          %parallel_loop3A_311 = tpu.vector_load %parallel_loop3A_309[%parallel_loop3A_310] {strides = array<i32>} : memref<128xf32, #tpu.memory_space<vmem>>, vector<16xf32>,
          %parallel_loop3A_312 = arith.mulf %get3A_52, %parallel_loop3A_311 : vector<16xf32>
          %parallel_loop3A_313 = arith.addf %parallel_loop3A_302, %parallel_loop3A_312 : vector<16xf32>
          %parallel_loop3A_314 = arith.constant 0 : i32
          %parallel_loop3A_315 = arith.constant 0 : i32
          %parallel_loop3A_316 = tpu.memref_slice %arg16[%parallel_loop3A_236, %parallel_loop3A_314, %parallel_loop3A_315] : memref<2x128x128xf32, #tpu.memory_space<vmem>> -> memref<1x128x128xf32, #tpu.memory_space<vmem>>
          %parallel_loop3A_317 = tpu.memref_squeeze %parallel_loop3A_316 : memref<1x128x128xf32, #tpu.memory_space<vmem>> -> memref<128x128xf32, #tpu.memory_space<vmem>>
          %parallel_loop3A_318 = arith.constant 0 : i32
          %parallel_loop3A_319 = tpu.memref_slice %parallel_loop3A_317[%parallel_loop3A_237, %parallel_loop3A_318] : memref<128x128xf32, #tpu.memory_space<vmem>> -> memref<1x128xf32, #tpu.memory_space<vmem>>
          %parallel_loop3A_320 = tpu.memref_squeeze %parallel_loop3A_319 : memref<1x128xf32, #tpu.memory_space<vmem>> -> memref<128xf32, #tpu.memory_space<vmem>>
          %parallel_loop3A_321 = arith.constant 112 : index
          %parallel_loop3A_322 = tpu.vector_load %parallel_loop3A_320[%parallel_loop3A_321] {strides = array<i32>} : memref<128xf32, #tpu.memory_space<vmem>>, vector<16xf32>,
          %parallel_loop3A_323 = arith.mulf %get3A_54, %parallel_loop3A_322 : vector<16xf32>
          %parallel_loop3A_324 = arith.addf %parallel_loop3A_313, %parallel_loop3A_323 : vector<16xf32>
          %parallel_loop3A_325 = arith.constant true
          %parallel_loop3A_326 = vector.broadcast %parallel_loop3A_325 : i1 to vector<16xi1>
          %parallel_loop3A_327 = tpu.scan <sum>, %parallel_loop3A_324 masked %parallel_loop3A_326 : vector<16xf32>, vector<16xi1> -> vector<16xf32>
          %parallel_loop3A_328 = vector.extract %parallel_loop3A_327[15] : f32 from vector<16xf32>
          %parallel_loop3A_329 = arith.addf %parallel_loop3A_328, %squeeze3A : f32
          %parallel_loop3A_330 = arith.constant 128 : i32
          %parallel_loop3A_331 = arith.muli %while3A_168, %parallel_loop3A_330 : i32
          %parallel_loop3A_332 = arith.addi %parallel_loop3A_331, %parallel_loop3A_237 : i32
          %parallel_loop3A_333 = arith.index_cast %parallel_loop3A_332 : i32 to index
          %parallel_loop3A_334 = tpu.vector_load %arg12[%parallel_loop3A_333] {strides = array<i32>} : memref<14592xi32, #tpu.memory_space<vmem>>, vector<16xi32>,
          %parallel_loop3A_335 = vector.extract_strided_slice %parallel_loop3A_334 {offsets = [0], sizes = [1], strides = [1]} : vector<16xi32> to vector<1xi32>
          %parallel_loop3A_336 = vector.extract %parallel_loop3A_335[0] : i32 from vector<1xi32>
          %parallel_loop3A_337 = arith.constant 14 : i32
          %parallel_loop3A_338 = arith.shrui %parallel_loop3A_336, %parallel_loop3A_337 : i32
          %parallel_loop3A_339 = arith.constant 16383 : i32
          %parallel_loop3A_340 = arith.andi %parallel_loop3A_336, %parallel_loop3A_339 : i32
          %parallel_loop3A_341 = arith.subi %parallel_loop3A_340, %mul3A_2 : i32
          %parallel_loop3A_342 = arith.constant 28 : i32
          %parallel_loop3A_343 = arith.muli %parallel_loop3A_341, %parallel_loop3A_342 : i32
          %parallel_loop3A_344 = arith.addi %parallel_loop3A_343, %parallel_loop3A_338 : i32
          %parallel_loop3A_345 = vector.broadcast %parallel_loop3A_344 : i32 to vector<16xi32>
          %parallel_loop3A_346 = vector.broadcast %parallel_loop3A_329 : f32 to vector<16xf32>
          tpu.vector_store_idx %arg17[%parallel_loop3A_345], %parallel_loop3A_346 masked %eq3A_56 : memref<14336xf32, #tpu.memory_space<vmem>>[vector<16xi32>], vector<16xf32>, vector<16xi1>
        } {sc.loop_unroll_factor = 4 : i64, sc.parallel_access}
      } else {
      }
      %jit3A_190 = arith.constant 2 : i32
      %eq3A_191 = arith.constant 0 : i32
      %eq3A_192 = arith.cmpi eq, %jit3A_190, %eq3A_191 : i32
      %jit3A_193 = arith.constant 1 : i32
      %select_n3A_194 = arith.select %eq3A_192, %jit3A_193, %jit3A_190 : i32
      %rem3A_195 = arith.remsi %while3A_168, %select_n3A_194 : i32
      %ne3A_196 = arith.constant 0 : i32
      %ne3A_197 = arith.cmpi ne, %rem3A_195, %ne3A_196 : i32
      %lt3A_198 = arith.constant 0 : i32
      %lt3A_199 = arith.cmpi slt, %rem3A_195, %lt3A_198 : i32
      %lt3A_200 = arith.constant 0 : i32
      %lt3A_201 = arith.cmpi slt, %select_n3A_194, %lt3A_200 : i32
      %ne3A_202 = arith.xori %lt3A_199, %lt3A_201 : i1
      %and3A_203 = arith.andi %ne3A_202, %ne3A_197 : i1
      %add3A_204 = arith.addi %rem3A_195, %select_n3A_194 : i32
      %select_n3A_205 = arith.select %and3A_203, %add3A_204, %rem3A_195 : i32
      %eq3A_206 = arith.constant 1 : i32
      %eq3A_207 = arith.cmpi eq, %select_n3A_205, %eq3A_206 : i32
      %convert_element_type3A_208 = arith.extui %eq3A_207 : i1 to i32
      %cond3A_209 = arith.constant 0 : i32
      %cond3A_210 = arith.cmpi ne, %convert_element_type3A_208, %cond3A_209 : i32
      scf.if %cond3A_210 {
        %add3A_212 = arith.constant 1 : i32
        %add3A_213 = arith.addi %while3A_168, %add3A_212 : i32
        %lt3A_214 = arith.cmpi slt, %add3A_213, %select_n3A : i32
        %convert_element_type3A_215 = arith.extui %lt3A_214 : i1 to i32
        %cond3A_216 = arith.constant 0 : i32
        %cond3A_217 = arith.cmpi ne, %convert_element_type3A_215, %cond3A_216 : i32
        scf.if %cond3A_217 {
          %add3A_237 = arith.constant 1 : i32
          %add3A_238 = arith.addi %while3A_168, %add3A_237 : i32
          %mul3A_239 = arith.constant 128 : i32
          %mul3A_240 = arith.muli %add3A_238, %mul3A_239 : i32
          %dma_start3A_241 = arith.constant 0 : i32
          %dma_start3A_242 = arith.constant 0 : i32
          %dma_start3A_243 = arith.constant 0 : i32
          %dma_start3A_244 = tpu.memref_slice %arg16[%dma_start3A_241, %dma_start3A_242, %dma_start3A_243] : memref<2x128x128xf32, #tpu.memory_space<vmem>> -> memref<1x128x128xf32, #tpu.memory_space<vmem>>
          %dma_start3A_245 = tpu.memref_squeeze %dma_start3A_244 : memref<1x128x128xf32, #tpu.memory_space<vmem>> -> memref<128x128xf32, #tpu.memory_space<vmem>>
          %dma_start3A_246 = tpu.memref_slice %arg12[%mul3A_240] : memref<14592xi32, #tpu.memory_space<vmem>> -> memref<128xi32, #tpu.memory_space<vmem>>
          %dma_start3A_247 = arith.constant 0 : i32
          %dma_start3A_248 = arith.constant 0 : i32
          %dma_start3A_249 = tpu.memref_slice %arg2[%dma_start3A_247, %dma_start3A_248] : memref<458752x128xf32, #tpu.memory_space<hbm>> -> memref<458752x128xf32, #tpu.memory_space<hbm>>
          tpu.enqueue_indirect_dma source(%dma_start3A_249 : memref<458752x128xf32, #tpu.memory_space<hbm>>) target(%dma_start3A_245 : memref<128x128xf32, #tpu.memory_space<vmem>>) offsets(%dma_start3A_246 : memref<128xi32, #tpu.memory_space<vmem>>) semaphore(%arg18 : memref<!tpu.dma_semaphore, #tpu.memory_space<semaphore_mem>>)
        } else {
        }
        %dma_wait3A_218 = arith.constant 1 : i32
        %dma_wait3A_219 = arith.constant 0 : i32
        %dma_wait3A_220 = arith.constant 0 : i32
        %dma_wait3A_221 = tpu.memref_slice %arg16[%dma_wait3A_218, %dma_wait3A_219, %dma_wait3A_220] : memref<2x128x128xf32, #tpu.memory_space<vmem>> -> memref<1x128x128xf32, #tpu.memory_space<vmem>>
        %dma_wait3A_222 = tpu.memref_squeeze %dma_wait3A_221 : memref<1x128x128xf32, #tpu.memory_space<vmem>> -> memref<128x128xf32, #tpu.memory_space<vmem>>
        %dma_wait3A_223 = arith.constant 0 : i32
        %dma_wait3A_224 = arith.constant 0 : i32
        %dma_wait3A_225 = tpu.memref_slice %arg2[%dma_wait3A_223, %dma_wait3A_224] : memref<458752x128xf32, #tpu.memory_space<hbm>> -> memref<128x128xf32, #tpu.memory_space<hbm>>
        %dma_wait3A_226 = arith.constant 0 : i32
        %dma_wait3A_227 = arith.constant 0 : i32
        %dma_wait3A_228 = tpu.memref_slice %arg16[%dma_wait3A_218, %dma_wait3A_226, %dma_wait3A_227] : memref<2x128x128xf32, #tpu.memory_space<vmem>> -> memref<1x128x128xf32, #tpu.memory_space<vmem>>
        %dma_wait3A_229 = tpu.memref_squeeze %dma_wait3A_228 : memref<1x128x128xf32, #tpu.memory_space<vmem>> -> memref<128x128xf32, #tpu.memory_space<vmem>>
        %dma_wait3A_230 = arith.constant 0 : i32
        %dma_wait3A_231 = arith.constant 0 : i32
        %dma_wait3A_232 = tpu.memref_slice %arg2[%dma_wait3A_230, %dma_wait3A_231] : memref<458752x128xf32, #tpu.memory_space<hbm>> -> memref<128x128xf32, #tpu.memory_space<hbm>>
        tpu.wait_dma2 semaphore(%arg19 : memref<!tpu.dma_semaphore, #tpu.memory_space<semaphore_mem>>) src(%dma_wait3A_232 : memref<128x128xf32, #tpu.memory_space<hbm>>) dst(%dma_wait3A_229 : memref<128x128xf32, #tpu.memory_space<vmem>>)
        %parallel_loop3A_233 = arith.constant 0 : i32
        %parallel_loop3A_234 = arith.constant 128 : i32
        %parallel_loop3A_235 = arith.constant 1 : i32
        %parallel_loop3A_236 = arith.constant 1 : i32
        scf.for %parallel_loop3A_237 = %parallel_loop3A_233 to %parallel_loop3A_234 step %parallel_loop3A_235  : i32 {
          %parallel_loop3A_238 = arith.constant 0 : i32
          %parallel_loop3A_239 = arith.constant 0 : i32
          %parallel_loop3A_240 = tpu.memref_slice %arg16[%parallel_loop3A_236, %parallel_loop3A_238, %parallel_loop3A_239] : memref<2x128x128xf32, #tpu.memory_space<vmem>> -> memref<1x128x128xf32, #tpu.memory_space<vmem>>
          %parallel_loop3A_241 = tpu.memref_squeeze %parallel_loop3A_240 : memref<1x128x128xf32, #tpu.memory_space<vmem>> -> memref<128x128xf32, #tpu.memory_space<vmem>>
          %parallel_loop3A_242 = arith.constant 0 : i32
          %parallel_loop3A_243 = tpu.memref_slice %parallel_loop3A_241[%parallel_loop3A_237, %parallel_loop3A_242] : memref<128x128xf32, #tpu.memory_space<vmem>> -> memref<1x128xf32, #tpu.memory_space<vmem>>
          %parallel_loop3A_244 = tpu.memref_squeeze %parallel_loop3A_243 : memref<1x128xf32, #tpu.memory_space<vmem>> -> memref<128xf32, #tpu.memory_space<vmem>>
          %parallel_loop3A_245 = arith.constant 0 : index
          %parallel_loop3A_246 = tpu.vector_load %parallel_loop3A_244[%parallel_loop3A_245] {strides = array<i32>} : memref<128xf32, #tpu.memory_space<vmem>>, vector<16xf32>,
          %parallel_loop3A_247 = arith.mulf %get3A_40, %parallel_loop3A_246 : vector<16xf32>
          %parallel_loop3A_248 = arith.constant 0 : i32
          %parallel_loop3A_249 = arith.constant 0 : i32
          %parallel_loop3A_250 = tpu.memref_slice %arg16[%parallel_loop3A_236, %parallel_loop3A_248, %parallel_loop3A_249] : memref<2x128x128xf32, #tpu.memory_space<vmem>> -> memref<1x128x128xf32, #tpu.memory_space<vmem>>
          %parallel_loop3A_251 = tpu.memref_squeeze %parallel_loop3A_250 : memref<1x128x128xf32, #tpu.memory_space<vmem>> -> memref<128x128xf32, #tpu.memory_space<vmem>>
          %parallel_loop3A_252 = arith.constant 0 : i32
          %parallel_loop3A_253 = tpu.memref_slice %parallel_loop3A_251[%parallel_loop3A_237, %parallel_loop3A_252] : memref<128x128xf32, #tpu.memory_space<vmem>> -> memref<1x128xf32, #tpu.memory_space<vmem>>
          %parallel_loop3A_254 = tpu.memref_squeeze %parallel_loop3A_253 : memref<1x128xf32, #tpu.memory_space<vmem>> -> memref<128xf32, #tpu.memory_space<vmem>>
          %parallel_loop3A_255 = arith.constant 16 : index
          %parallel_loop3A_256 = tpu.vector_load %parallel_loop3A_254[%parallel_loop3A_255] {strides = array<i32>} : memref<128xf32, #tpu.memory_space<vmem>>, vector<16xf32>,
          %parallel_loop3A_257 = arith.mulf %get3A_42, %parallel_loop3A_256 : vector<16xf32>
          %parallel_loop3A_258 = arith.addf %parallel_loop3A_247, %parallel_loop3A_257 : vector<16xf32>
          %parallel_loop3A_259 = arith.constant 0 : i32
          %parallel_loop3A_260 = arith.constant 0 : i32
          %parallel_loop3A_261 = tpu.memref_slice %arg16[%parallel_loop3A_236, %parallel_loop3A_259, %parallel_loop3A_260] : memref<2x128x128xf32, #tpu.memory_space<vmem>> -> memref<1x128x128xf32, #tpu.memory_space<vmem>>
          %parallel_loop3A_262 = tpu.memref_squeeze %parallel_loop3A_261 : memref<1x128x128xf32, #tpu.memory_space<vmem>> -> memref<128x128xf32, #tpu.memory_space<vmem>>
          %parallel_loop3A_263 = arith.constant 0 : i32
          %parallel_loop3A_264 = tpu.memref_slice %parallel_loop3A_262[%parallel_loop3A_237, %parallel_loop3A_263] : memref<128x128xf32, #tpu.memory_space<vmem>> -> memref<1x128xf32, #tpu.memory_space<vmem>>
          %parallel_loop3A_265 = tpu.memref_squeeze %parallel_loop3A_264 : memref<1x128xf32, #tpu.memory_space<vmem>> -> memref<128xf32, #tpu.memory_space<vmem>>
          %parallel_loop3A_266 = arith.constant 32 : index
          %parallel_loop3A_267 = tpu.vector_load %parallel_loop3A_265[%parallel_loop3A_266] {strides = array<i32>} : memref<128xf32, #tpu.memory_space<vmem>>, vector<16xf32>,
          %parallel_loop3A_268 = arith.mulf %get3A_44, %parallel_loop3A_267 : vector<16xf32>
          %parallel_loop3A_269 = arith.addf %parallel_loop3A_258, %parallel_loop3A_268 : vector<16xf32>
          %parallel_loop3A_270 = arith.constant 0 : i32
          %parallel_loop3A_271 = arith.constant 0 : i32
          %parallel_loop3A_272 = tpu.memref_slice %arg16[%parallel_loop3A_236, %parallel_loop3A_270, %parallel_loop3A_271] : memref<2x128x128xf32, #tpu.memory_space<vmem>> -> memref<1x128x128xf32, #tpu.memory_space<vmem>>
          %parallel_loop3A_273 = tpu.memref_squeeze %parallel_loop3A_272 : memref<1x128x128xf32, #tpu.memory_space<vmem>> -> memref<128x128xf32, #tpu.memory_space<vmem>>
          %parallel_loop3A_274 = arith.constant 0 : i32
          %parallel_loop3A_275 = tpu.memref_slice %parallel_loop3A_273[%parallel_loop3A_237, %parallel_loop3A_274] : memref<128x128xf32, #tpu.memory_space<vmem>> -> memref<1x128xf32, #tpu.memory_space<vmem>>
          %parallel_loop3A_276 = tpu.memref_squeeze %parallel_loop3A_275 : memref<1x128xf32, #tpu.memory_space<vmem>> -> memref<128xf32, #tpu.memory_space<vmem>>
          %parallel_loop3A_277 = arith.constant 48 : index
          %parallel_loop3A_278 = tpu.vector_load %parallel_loop3A_276[%parallel_loop3A_277] {strides = array<i32>} : memref<128xf32, #tpu.memory_space<vmem>>, vector<16xf32>,
          %parallel_loop3A_279 = arith.mulf %get3A_46, %parallel_loop3A_278 : vector<16xf32>
          %parallel_loop3A_280 = arith.addf %parallel_loop3A_269, %parallel_loop3A_279 : vector<16xf32>
          %parallel_loop3A_281 = arith.constant 0 : i32
          %parallel_loop3A_282 = arith.constant 0 : i32
          %parallel_loop3A_283 = tpu.memref_slice %arg16[%parallel_loop3A_236, %parallel_loop3A_281, %parallel_loop3A_282] : memref<2x128x128xf32, #tpu.memory_space<vmem>> -> memref<1x128x128xf32, #tpu.memory_space<vmem>>
          %parallel_loop3A_284 = tpu.memref_squeeze %parallel_loop3A_283 : memref<1x128x128xf32, #tpu.memory_space<vmem>> -> memref<128x128xf32, #tpu.memory_space<vmem>>
          %parallel_loop3A_285 = arith.constant 0 : i32
          %parallel_loop3A_286 = tpu.memref_slice %parallel_loop3A_284[%parallel_loop3A_237, %parallel_loop3A_285] : memref<128x128xf32, #tpu.memory_space<vmem>> -> memref<1x128xf32, #tpu.memory_space<vmem>>
          %parallel_loop3A_287 = tpu.memref_squeeze %parallel_loop3A_286 : memref<1x128xf32, #tpu.memory_space<vmem>> -> memref<128xf32, #tpu.memory_space<vmem>>
          %parallel_loop3A_288 = arith.constant 64 : index
          %parallel_loop3A_289 = tpu.vector_load %parallel_loop3A_287[%parallel_loop3A_288] {strides = array<i32>} : memref<128xf32, #tpu.memory_space<vmem>>, vector<16xf32>,
          %parallel_loop3A_290 = arith.mulf %get3A_48, %parallel_loop3A_289 : vector<16xf32>
          %parallel_loop3A_291 = arith.addf %parallel_loop3A_280, %parallel_loop3A_290 : vector<16xf32>
          %parallel_loop3A_292 = arith.constant 0 : i32
          %parallel_loop3A_293 = arith.constant 0 : i32
          %parallel_loop3A_294 = tpu.memref_slice %arg16[%parallel_loop3A_236, %parallel_loop3A_292, %parallel_loop3A_293] : memref<2x128x128xf32, #tpu.memory_space<vmem>> -> memref<1x128x128xf32, #tpu.memory_space<vmem>>
          %parallel_loop3A_295 = tpu.memref_squeeze %parallel_loop3A_294 : memref<1x128x128xf32, #tpu.memory_space<vmem>> -> memref<128x128xf32, #tpu.memory_space<vmem>>
          %parallel_loop3A_296 = arith.constant 0 : i32
          %parallel_loop3A_297 = tpu.memref_slice %parallel_loop3A_295[%parallel_loop3A_237, %parallel_loop3A_296] : memref<128x128xf32, #tpu.memory_space<vmem>> -> memref<1x128xf32, #tpu.memory_space<vmem>>
          %parallel_loop3A_298 = tpu.memref_squeeze %parallel_loop3A_297 : memref<1x128xf32, #tpu.memory_space<vmem>> -> memref<128xf32, #tpu.memory_space<vmem>>
          %parallel_loop3A_299 = arith.constant 80 : index
          %parallel_loop3A_300 = tpu.vector_load %parallel_loop3A_298[%parallel_loop3A_299] {strides = array<i32>} : memref<128xf32, #tpu.memory_space<vmem>>, vector<16xf32>,
          %parallel_loop3A_301 = arith.mulf %get3A_50, %parallel_loop3A_300 : vector<16xf32>
          %parallel_loop3A_302 = arith.addf %parallel_loop3A_291, %parallel_loop3A_301 : vector<16xf32>
          %parallel_loop3A_303 = arith.constant 0 : i32
          %parallel_loop3A_304 = arith.constant 0 : i32
          %parallel_loop3A_305 = tpu.memref_slice %arg16[%parallel_loop3A_236, %parallel_loop3A_303, %parallel_loop3A_304] : memref<2x128x128xf32, #tpu.memory_space<vmem>> -> memref<1x128x128xf32, #tpu.memory_space<vmem>>
          %parallel_loop3A_306 = tpu.memref_squeeze %parallel_loop3A_305 : memref<1x128x128xf32, #tpu.memory_space<vmem>> -> memref<128x128xf32, #tpu.memory_space<vmem>>
          %parallel_loop3A_307 = arith.constant 0 : i32
          %parallel_loop3A_308 = tpu.memref_slice %parallel_loop3A_306[%parallel_loop3A_237, %parallel_loop3A_307] : memref<128x128xf32, #tpu.memory_space<vmem>> -> memref<1x128xf32, #tpu.memory_space<vmem>>
          %parallel_loop3A_309 = tpu.memref_squeeze %parallel_loop3A_308 : memref<1x128xf32, #tpu.memory_space<vmem>> -> memref<128xf32, #tpu.memory_space<vmem>>
          %parallel_loop3A_310 = arith.constant 96 : index
          %parallel_loop3A_311 = tpu.vector_load %parallel_loop3A_309[%parallel_loop3A_310] {strides = array<i32>} : memref<128xf32, #tpu.memory_space<vmem>>, vector<16xf32>,
          %parallel_loop3A_312 = arith.mulf %get3A_52, %parallel_loop3A_311 : vector<16xf32>
          %parallel_loop3A_313 = arith.addf %parallel_loop3A_302, %parallel_loop3A_312 : vector<16xf32>
          %parallel_loop3A_314 = arith.constant 0 : i32
          %parallel_loop3A_315 = arith.constant 0 : i32
          %parallel_loop3A_316 = tpu.memref_slice %arg16[%parallel_loop3A_236, %parallel_loop3A_314, %parallel_loop3A_315] : memref<2x128x128xf32, #tpu.memory_space<vmem>> -> memref<1x128x128xf32, #tpu.memory_space<vmem>>
          %parallel_loop3A_317 = tpu.memref_squeeze %parallel_loop3A_316 : memref<1x128x128xf32, #tpu.memory_space<vmem>> -> memref<128x128xf32, #tpu.memory_space<vmem>>
          %parallel_loop3A_318 = arith.constant 0 : i32
          %parallel_loop3A_319 = tpu.memref_slice %parallel_loop3A_317[%parallel_loop3A_237, %parallel_loop3A_318] : memref<128x128xf32, #tpu.memory_space<vmem>> -> memref<1x128xf32, #tpu.memory_space<vmem>>
          %parallel_loop3A_320 = tpu.memref_squeeze %parallel_loop3A_319 : memref<1x128xf32, #tpu.memory_space<vmem>> -> memref<128xf32, #tpu.memory_space<vmem>>
          %parallel_loop3A_321 = arith.constant 112 : index
          %parallel_loop3A_322 = tpu.vector_load %parallel_loop3A_320[%parallel_loop3A_321] {strides = array<i32>} : memref<128xf32, #tpu.memory_space<vmem>>, vector<16xf32>,
          %parallel_loop3A_323 = arith.mulf %get3A_54, %parallel_loop3A_322 : vector<16xf32>
          %parallel_loop3A_324 = arith.addf %parallel_loop3A_313, %parallel_loop3A_323 : vector<16xf32>
          %parallel_loop3A_325 = arith.constant true
          %parallel_loop3A_326 = vector.broadcast %parallel_loop3A_325 : i1 to vector<16xi1>
          %parallel_loop3A_327 = tpu.scan <sum>, %parallel_loop3A_324 masked %parallel_loop3A_326 : vector<16xf32>, vector<16xi1> -> vector<16xf32>
          %parallel_loop3A_328 = vector.extract %parallel_loop3A_327[15] : f32 from vector<16xf32>
          %parallel_loop3A_329 = arith.addf %parallel_loop3A_328, %squeeze3A : f32
          %parallel_loop3A_330 = arith.constant 128 : i32
          %parallel_loop3A_331 = arith.muli %while3A_168, %parallel_loop3A_330 : i32
          %parallel_loop3A_332 = arith.addi %parallel_loop3A_331, %parallel_loop3A_237 : i32
          %parallel_loop3A_333 = arith.index_cast %parallel_loop3A_332 : i32 to index
          %parallel_loop3A_334 = tpu.vector_load %arg12[%parallel_loop3A_333] {strides = array<i32>} : memref<14592xi32, #tpu.memory_space<vmem>>, vector<16xi32>,
          %parallel_loop3A_335 = vector.extract_strided_slice %parallel_loop3A_334 {offsets = [0], sizes = [1], strides = [1]} : vector<16xi32> to vector<1xi32>
          %parallel_loop3A_336 = vector.extract %parallel_loop3A_335[0] : i32 from vector<1xi32>
          %parallel_loop3A_337 = arith.constant 14 : i32
          %parallel_loop3A_338 = arith.shrui %parallel_loop3A_336, %parallel_loop3A_337 : i32
          %parallel_loop3A_339 = arith.constant 16383 : i32
          %parallel_loop3A_340 = arith.andi %parallel_loop3A_336, %parallel_loop3A_339 : i32
          %parallel_loop3A_341 = arith.subi %parallel_loop3A_340, %mul3A_2 : i32
          %parallel_loop3A_342 = arith.constant 28 : i32
          %parallel_loop3A_343 = arith.muli %parallel_loop3A_341, %parallel_loop3A_342 : i32
          %parallel_loop3A_344 = arith.addi %parallel_loop3A_343, %parallel_loop3A_338 : i32
          %parallel_loop3A_345 = vector.broadcast %parallel_loop3A_344 : i32 to vector<16xi32>
          %parallel_loop3A_346 = vector.broadcast %parallel_loop3A_329 : f32 to vector<16xf32>
          tpu.vector_store_idx %arg17[%parallel_loop3A_345], %parallel_loop3A_346 masked %eq3A_56 : memref<14336xf32, #tpu.memory_space<vmem>>[vector<16xi32>], vector<16xf32>, vector<16xi1>
        } {sc.loop_unroll_factor = 4 : i64, sc.parallel_access}
      } else {
      }
      %while3A_211 = arith.constant 0 : i32
      scf.yield %while3A_211 : i32
    }
    %while3A_68 = arith.constant 1 : i32
    %while3A_69 = scf.for %while3A_168 = %while3A_65 to %while3A_61 step %while3A_68 iter_args(%while3A_169 = %while3A_67) -> (i32)  : i32 {
      %jit3A_170 = arith.constant 2 : i32
      %eq3A_171 = arith.constant 0 : i32
      %eq3A_172 = arith.cmpi eq, %jit3A_170, %eq3A_171 : i32
      %jit3A_173 = arith.constant 1 : i32
      %select_n3A_174 = arith.select %eq3A_172, %jit3A_173, %jit3A_170 : i32
      %rem3A_175 = arith.remsi %while3A_168, %select_n3A_174 : i32
      %ne3A_176 = arith.constant 0 : i32
      %ne3A_177 = arith.cmpi ne, %rem3A_175, %ne3A_176 : i32
      %lt3A = arith.constant 0 : i32
      %lt3A_178 = arith.cmpi slt, %rem3A_175, %lt3A : i32
      %lt3A_179 = arith.constant 0 : i32
      %lt3A_180 = arith.cmpi slt, %select_n3A_174, %lt3A_179 : i32
      %ne3A_181 = arith.xori %lt3A_178, %lt3A_180 : i1
      %and3A_182 = arith.andi %ne3A_181, %ne3A_177 : i1
      %add3A_183 = arith.addi %rem3A_175, %select_n3A_174 : i32
      %select_n3A_184 = arith.select %and3A_182, %add3A_183, %rem3A_175 : i32
      %eq3A_185 = arith.constant 0 : i32
      %eq3A_186 = arith.cmpi eq, %select_n3A_184, %eq3A_185 : i32
      %convert_element_type3A_187 = arith.extui %eq3A_186 : i1 to i32
      %cond3A_188 = arith.constant 0 : i32
      %cond3A_189 = arith.cmpi ne, %convert_element_type3A_187, %cond3A_188 : i32
      scf.if %cond3A_189 {
        %add3A_212 = arith.constant 1 : i32
        %add3A_213 = arith.addi %while3A_168, %add3A_212 : i32
        %lt3A_214 = arith.cmpi slt, %add3A_213, %select_n3A : i32
        %convert_element_type3A_215 = arith.extui %lt3A_214 : i1 to i32
        %cond3A_216 = arith.constant 0 : i32
        %cond3A_217 = arith.cmpi ne, %convert_element_type3A_215, %cond3A_216 : i32
        scf.if %cond3A_217 {
          %add3A_237 = arith.constant 1 : i32
          %add3A_238 = arith.addi %while3A_168, %add3A_237 : i32
          %mul3A_239 = arith.constant 128 : i32
          %mul3A_240 = arith.muli %add3A_238, %mul3A_239 : i32
          %dma_start3A_241 = arith.constant 1 : i32
          %dma_start3A_242 = arith.constant 0 : i32
          %dma_start3A_243 = arith.constant 0 : i32
          %dma_start3A_244 = tpu.memref_slice %arg16[%dma_start3A_241, %dma_start3A_242, %dma_start3A_243] : memref<2x128x128xf32, #tpu.memory_space<vmem>> -> memref<1x128x128xf32, #tpu.memory_space<vmem>>
          %dma_start3A_245 = tpu.memref_squeeze %dma_start3A_244 : memref<1x128x128xf32, #tpu.memory_space<vmem>> -> memref<128x128xf32, #tpu.memory_space<vmem>>
          %dma_start3A_246 = tpu.memref_slice %arg12[%mul3A_240] : memref<14592xi32, #tpu.memory_space<vmem>> -> memref<128xi32, #tpu.memory_space<vmem>>
          %dma_start3A_247 = arith.constant 0 : i32
          %dma_start3A_248 = arith.constant 0 : i32
          %dma_start3A_249 = tpu.memref_slice %arg2[%dma_start3A_247, %dma_start3A_248] : memref<458752x128xf32, #tpu.memory_space<hbm>> -> memref<458752x128xf32, #tpu.memory_space<hbm>>
          tpu.enqueue_indirect_dma source(%dma_start3A_249 : memref<458752x128xf32, #tpu.memory_space<hbm>>) target(%dma_start3A_245 : memref<128x128xf32, #tpu.memory_space<vmem>>) offsets(%dma_start3A_246 : memref<128xi32, #tpu.memory_space<vmem>>) semaphore(%arg19 : memref<!tpu.dma_semaphore, #tpu.memory_space<semaphore_mem>>)
        } else {
        }
        %dma_wait3A_218 = arith.constant 0 : i32
        %dma_wait3A_219 = arith.constant 0 : i32
        %dma_wait3A_220 = arith.constant 0 : i32
        %dma_wait3A_221 = tpu.memref_slice %arg16[%dma_wait3A_218, %dma_wait3A_219, %dma_wait3A_220] : memref<2x128x128xf32, #tpu.memory_space<vmem>> -> memref<1x128x128xf32, #tpu.memory_space<vmem>>
        %dma_wait3A_222 = tpu.memref_squeeze %dma_wait3A_221 : memref<1x128x128xf32, #tpu.memory_space<vmem>> -> memref<128x128xf32, #tpu.memory_space<vmem>>
        %dma_wait3A_223 = arith.constant 0 : i32
        %dma_wait3A_224 = arith.constant 0 : i32
        %dma_wait3A_225 = tpu.memref_slice %arg2[%dma_wait3A_223, %dma_wait3A_224] : memref<458752x128xf32, #tpu.memory_space<hbm>> -> memref<128x128xf32, #tpu.memory_space<hbm>>
        %dma_wait3A_226 = arith.constant 0 : i32
        %dma_wait3A_227 = arith.constant 0 : i32
        %dma_wait3A_228 = tpu.memref_slice %arg16[%dma_wait3A_218, %dma_wait3A_226, %dma_wait3A_227] : memref<2x128x128xf32, #tpu.memory_space<vmem>> -> memref<1x128x128xf32, #tpu.memory_space<vmem>>
        %dma_wait3A_229 = tpu.memref_squeeze %dma_wait3A_228 : memref<1x128x128xf32, #tpu.memory_space<vmem>> -> memref<128x128xf32, #tpu.memory_space<vmem>>
        %dma_wait3A_230 = arith.constant 0 : i32
        %dma_wait3A_231 = arith.constant 0 : i32
        %dma_wait3A_232 = tpu.memref_slice %arg2[%dma_wait3A_230, %dma_wait3A_231] : memref<458752x128xf32, #tpu.memory_space<hbm>> -> memref<128x128xf32, #tpu.memory_space<hbm>>
        tpu.wait_dma2 semaphore(%arg18 : memref<!tpu.dma_semaphore, #tpu.memory_space<semaphore_mem>>) src(%dma_wait3A_232 : memref<128x128xf32, #tpu.memory_space<hbm>>) dst(%dma_wait3A_229 : memref<128x128xf32, #tpu.memory_space<vmem>>)
        %parallel_loop3A_233 = arith.constant 0 : i32
        %parallel_loop3A_234 = arith.constant 128 : i32
        %parallel_loop3A_235 = arith.constant 1 : i32
        %parallel_loop3A_236 = arith.constant 0 : i32
        scf.for %parallel_loop3A_237 = %parallel_loop3A_233 to %parallel_loop3A_234 step %parallel_loop3A_235  : i32 {
          %parallel_loop3A_238 = arith.constant 0 : i32
          %parallel_loop3A_239 = arith.constant 0 : i32
          %parallel_loop3A_240 = tpu.memref_slice %arg16[%parallel_loop3A_236, %parallel_loop3A_238, %parallel_loop3A_239] : memref<2x128x128xf32, #tpu.memory_space<vmem>> -> memref<1x128x128xf32, #tpu.memory_space<vmem>>
          %parallel_loop3A_241 = tpu.memref_squeeze %parallel_loop3A_240 : memref<1x128x128xf32, #tpu.memory_space<vmem>> -> memref<128x128xf32, #tpu.memory_space<vmem>>
          %parallel_loop3A_242 = arith.constant 0 : i32
          %parallel_loop3A_243 = tpu.memref_slice %parallel_loop3A_241[%parallel_loop3A_237, %parallel_loop3A_242] : memref<128x128xf32, #tpu.memory_space<vmem>> -> memref<1x128xf32, #tpu.memory_space<vmem>>
          %parallel_loop3A_244 = tpu.memref_squeeze %parallel_loop3A_243 : memref<1x128xf32, #tpu.memory_space<vmem>> -> memref<128xf32, #tpu.memory_space<vmem>>
          %parallel_loop3A_245 = arith.constant 0 : index
          %parallel_loop3A_246 = tpu.vector_load %parallel_loop3A_244[%parallel_loop3A_245] {strides = array<i32>} : memref<128xf32, #tpu.memory_space<vmem>>, vector<16xf32>,
          %parallel_loop3A_247 = arith.mulf %get3A_40, %parallel_loop3A_246 : vector<16xf32>
          %parallel_loop3A_248 = arith.constant 0 : i32
          %parallel_loop3A_249 = arith.constant 0 : i32
          %parallel_loop3A_250 = tpu.memref_slice %arg16[%parallel_loop3A_236, %parallel_loop3A_248, %parallel_loop3A_249] : memref<2x128x128xf32, #tpu.memory_space<vmem>> -> memref<1x128x128xf32, #tpu.memory_space<vmem>>
          %parallel_loop3A_251 = tpu.memref_squeeze %parallel_loop3A_250 : memref<1x128x128xf32, #tpu.memory_space<vmem>> -> memref<128x128xf32, #tpu.memory_space<vmem>>
          %parallel_loop3A_252 = arith.constant 0 : i32
          %parallel_loop3A_253 = tpu.memref_slice %parallel_loop3A_251[%parallel_loop3A_237, %parallel_loop3A_252] : memref<128x128xf32, #tpu.memory_space<vmem>> -> memref<1x128xf32, #tpu.memory_space<vmem>>
          %parallel_loop3A_254 = tpu.memref_squeeze %parallel_loop3A_253 : memref<1x128xf32, #tpu.memory_space<vmem>> -> memref<128xf32, #tpu.memory_space<vmem>>
          %parallel_loop3A_255 = arith.constant 16 : index
          %parallel_loop3A_256 = tpu.vector_load %parallel_loop3A_254[%parallel_loop3A_255] {strides = array<i32>} : memref<128xf32, #tpu.memory_space<vmem>>, vector<16xf32>,
          %parallel_loop3A_257 = arith.mulf %get3A_42, %parallel_loop3A_256 : vector<16xf32>
          %parallel_loop3A_258 = arith.addf %parallel_loop3A_247, %parallel_loop3A_257 : vector<16xf32>
          %parallel_loop3A_259 = arith.constant 0 : i32
          %parallel_loop3A_260 = arith.constant 0 : i32
          %parallel_loop3A_261 = tpu.memref_slice %arg16[%parallel_loop3A_236, %parallel_loop3A_259, %parallel_loop3A_260] : memref<2x128x128xf32, #tpu.memory_space<vmem>> -> memref<1x128x128xf32, #tpu.memory_space<vmem>>
          %parallel_loop3A_262 = tpu.memref_squeeze %parallel_loop3A_261 : memref<1x128x128xf32, #tpu.memory_space<vmem>> -> memref<128x128xf32, #tpu.memory_space<vmem>>
          %parallel_loop3A_263 = arith.constant 0 : i32
          %parallel_loop3A_264 = tpu.memref_slice %parallel_loop3A_262[%parallel_loop3A_237, %parallel_loop3A_263] : memref<128x128xf32, #tpu.memory_space<vmem>> -> memref<1x128xf32, #tpu.memory_space<vmem>>
          %parallel_loop3A_265 = tpu.memref_squeeze %parallel_loop3A_264 : memref<1x128xf32, #tpu.memory_space<vmem>> -> memref<128xf32, #tpu.memory_space<vmem>>
          %parallel_loop3A_266 = arith.constant 32 : index
          %parallel_loop3A_267 = tpu.vector_load %parallel_loop3A_265[%parallel_loop3A_266] {strides = array<i32>} : memref<128xf32, #tpu.memory_space<vmem>>, vector<16xf32>,
          %parallel_loop3A_268 = arith.mulf %get3A_44, %parallel_loop3A_267 : vector<16xf32>
          %parallel_loop3A_269 = arith.addf %parallel_loop3A_258, %parallel_loop3A_268 : vector<16xf32>
          %parallel_loop3A_270 = arith.constant 0 : i32
          %parallel_loop3A_271 = arith.constant 0 : i32
          %parallel_loop3A_272 = tpu.memref_slice %arg16[%parallel_loop3A_236, %parallel_loop3A_270, %parallel_loop3A_271] : memref<2x128x128xf32, #tpu.memory_space<vmem>> -> memref<1x128x128xf32, #tpu.memory_space<vmem>>
          %parallel_loop3A_273 = tpu.memref_squeeze %parallel_loop3A_272 : memref<1x128x128xf32, #tpu.memory_space<vmem>> -> memref<128x128xf32, #tpu.memory_space<vmem>>
          %parallel_loop3A_274 = arith.constant 0 : i32
          %parallel_loop3A_275 = tpu.memref_slice %parallel_loop3A_273[%parallel_loop3A_237, %parallel_loop3A_274] : memref<128x128xf32, #tpu.memory_space<vmem>> -> memref<1x128xf32, #tpu.memory_space<vmem>>
          %parallel_loop3A_276 = tpu.memref_squeeze %parallel_loop3A_275 : memref<1x128xf32, #tpu.memory_space<vmem>> -> memref<128xf32, #tpu.memory_space<vmem>>
          %parallel_loop3A_277 = arith.constant 48 : index
          %parallel_loop3A_278 = tpu.vector_load %parallel_loop3A_276[%parallel_loop3A_277] {strides = array<i32>} : memref<128xf32, #tpu.memory_space<vmem>>, vector<16xf32>,
          %parallel_loop3A_279 = arith.mulf %get3A_46, %parallel_loop3A_278 : vector<16xf32>
          %parallel_loop3A_280 = arith.addf %parallel_loop3A_269, %parallel_loop3A_279 : vector<16xf32>
          %parallel_loop3A_281 = arith.constant 0 : i32
          %parallel_loop3A_282 = arith.constant 0 : i32
          %parallel_loop3A_283 = tpu.memref_slice %arg16[%parallel_loop3A_236, %parallel_loop3A_281, %parallel_loop3A_282] : memref<2x128x128xf32, #tpu.memory_space<vmem>> -> memref<1x128x128xf32, #tpu.memory_space<vmem>>
          %parallel_loop3A_284 = tpu.memref_squeeze %parallel_loop3A_283 : memref<1x128x128xf32, #tpu.memory_space<vmem>> -> memref<128x128xf32, #tpu.memory_space<vmem>>
          %parallel_loop3A_285 = arith.constant 0 : i32
          %parallel_loop3A_286 = tpu.memref_slice %parallel_loop3A_284[%parallel_loop3A_237, %parallel_loop3A_285] : memref<128x128xf32, #tpu.memory_space<vmem>> -> memref<1x128xf32, #tpu.memory_space<vmem>>
          %parallel_loop3A_287 = tpu.memref_squeeze %parallel_loop3A_286 : memref<1x128xf32, #tpu.memory_space<vmem>> -> memref<128xf32, #tpu.memory_space<vmem>>
          %parallel_loop3A_288 = arith.constant 64 : index
          %parallel_loop3A_289 = tpu.vector_load %parallel_loop3A_287[%parallel_loop3A_288] {strides = array<i32>} : memref<128xf32, #tpu.memory_space<vmem>>, vector<16xf32>,
          %parallel_loop3A_290 = arith.mulf %get3A_48, %parallel_loop3A_289 : vector<16xf32>
          %parallel_loop3A_291 = arith.addf %parallel_loop3A_280, %parallel_loop3A_290 : vector<16xf32>
          %parallel_loop3A_292 = arith.constant 0 : i32
          %parallel_loop3A_293 = arith.constant 0 : i32
          %parallel_loop3A_294 = tpu.memref_slice %arg16[%parallel_loop3A_236, %parallel_loop3A_292, %parallel_loop3A_293] : memref<2x128x128xf32, #tpu.memory_space<vmem>> -> memref<1x128x128xf32, #tpu.memory_space<vmem>>
          %parallel_loop3A_295 = tpu.memref_squeeze %parallel_loop3A_294 : memref<1x128x128xf32, #tpu.memory_space<vmem>> -> memref<128x128xf32, #tpu.memory_space<vmem>>
          %parallel_loop3A_296 = arith.constant 0 : i32
          %parallel_loop3A_297 = tpu.memref_slice %parallel_loop3A_295[%parallel_loop3A_237, %parallel_loop3A_296] : memref<128x128xf32, #tpu.memory_space<vmem>> -> memref<1x128xf32, #tpu.memory_space<vmem>>
          %parallel_loop3A_298 = tpu.memref_squeeze %parallel_loop3A_297 : memref<1x128xf32, #tpu.memory_space<vmem>> -> memref<128xf32, #tpu.memory_space<vmem>>
          %parallel_loop3A_299 = arith.constant 80 : index
          %parallel_loop3A_300 = tpu.vector_load %parallel_loop3A_298[%parallel_loop3A_299] {strides = array<i32>} : memref<128xf32, #tpu.memory_space<vmem>>, vector<16xf32>,
          %parallel_loop3A_301 = arith.mulf %get3A_50, %parallel_loop3A_300 : vector<16xf32>
          %parallel_loop3A_302 = arith.addf %parallel_loop3A_291, %parallel_loop3A_301 : vector<16xf32>
          %parallel_loop3A_303 = arith.constant 0 : i32
          %parallel_loop3A_304 = arith.constant 0 : i32
          %parallel_loop3A_305 = tpu.memref_slice %arg16[%parallel_loop3A_236, %parallel_loop3A_303, %parallel_loop3A_304] : memref<2x128x128xf32, #tpu.memory_space<vmem>> -> memref<1x128x128xf32, #tpu.memory_space<vmem>>
          %parallel_loop3A_306 = tpu.memref_squeeze %parallel_loop3A_305 : memref<1x128x128xf32, #tpu.memory_space<vmem>> -> memref<128x128xf32, #tpu.memory_space<vmem>>
          %parallel_loop3A_307 = arith.constant 0 : i32
          %parallel_loop3A_308 = tpu.memref_slice %parallel_loop3A_306[%parallel_loop3A_237, %parallel_loop3A_307] : memref<128x128xf32, #tpu.memory_space<vmem>> -> memref<1x128xf32, #tpu.memory_space<vmem>>
          %parallel_loop3A_309 = tpu.memref_squeeze %parallel_loop3A_308 : memref<1x128xf32, #tpu.memory_space<vmem>> -> memref<128xf32, #tpu.memory_space<vmem>>
          %parallel_loop3A_310 = arith.constant 96 : index
          %parallel_loop3A_311 = tpu.vector_load %parallel_loop3A_309[%parallel_loop3A_310] {strides = array<i32>} : memref<128xf32, #tpu.memory_space<vmem>>, vector<16xf32>,
          %parallel_loop3A_312 = arith.mulf %get3A_52, %parallel_loop3A_311 : vector<16xf32>
          %parallel_loop3A_313 = arith.addf %parallel_loop3A_302, %parallel_loop3A_312 : vector<16xf32>
          %parallel_loop3A_314 = arith.constant 0 : i32
          %parallel_loop3A_315 = arith.constant 0 : i32
          %parallel_loop3A_316 = tpu.memref_slice %arg16[%parallel_loop3A_236, %parallel_loop3A_314, %parallel_loop3A_315] : memref<2x128x128xf32, #tpu.memory_space<vmem>> -> memref<1x128x128xf32, #tpu.memory_space<vmem>>
          %parallel_loop3A_317 = tpu.memref_squeeze %parallel_loop3A_316 : memref<1x128x128xf32, #tpu.memory_space<vmem>> -> memref<128x128xf32, #tpu.memory_space<vmem>>
          %parallel_loop3A_318 = arith.constant 0 : i32
          %parallel_loop3A_319 = tpu.memref_slice %parallel_loop3A_317[%parallel_loop3A_237, %parallel_loop3A_318] : memref<128x128xf32, #tpu.memory_space<vmem>> -> memref<1x128xf32, #tpu.memory_space<vmem>>
          %parallel_loop3A_320 = tpu.memref_squeeze %parallel_loop3A_319 : memref<1x128xf32, #tpu.memory_space<vmem>> -> memref<128xf32, #tpu.memory_space<vmem>>
          %parallel_loop3A_321 = arith.constant 112 : index
          %parallel_loop3A_322 = tpu.vector_load %parallel_loop3A_320[%parallel_loop3A_321] {strides = array<i32>} : memref<128xf32, #tpu.memory_space<vmem>>, vector<16xf32>,
          %parallel_loop3A_323 = arith.mulf %get3A_54, %parallel_loop3A_322 : vector<16xf32>
          %parallel_loop3A_324 = arith.addf %parallel_loop3A_313, %parallel_loop3A_323 : vector<16xf32>
          %parallel_loop3A_325 = arith.constant true
          %parallel_loop3A_326 = vector.broadcast %parallel_loop3A_325 : i1 to vector<16xi1>
          %parallel_loop3A_327 = tpu.scan <sum>, %parallel_loop3A_324 masked %parallel_loop3A_326 : vector<16xf32>, vector<16xi1> -> vector<16xf32>
          %parallel_loop3A_328 = vector.extract %parallel_loop3A_327[15] : f32 from vector<16xf32>
          %parallel_loop3A_329 = arith.addf %parallel_loop3A_328, %squeeze3A : f32
          %parallel_loop3A_330 = arith.constant 128 : i32
          %parallel_loop3A_331 = arith.muli %while3A_168, %parallel_loop3A_330 : i32
          %parallel_loop3A_332 = arith.addi %parallel_loop3A_331, %parallel_loop3A_237 : i32
          %parallel_loop3A_333 = arith.index_cast %parallel_loop3A_332 : i32 to index
          %parallel_loop3A_334 = tpu.vector_load %arg12[%parallel_loop3A_333] {strides = array<i32>} : memref<14592xi32, #tpu.memory_space<vmem>>, vector<16xi32>,
          %parallel_loop3A_335 = vector.extract_strided_slice %parallel_loop3A_334 {offsets = [0], sizes = [1], strides = [1]} : vector<16xi32> to vector<1xi32>
          %parallel_loop3A_336 = vector.extract %parallel_loop3A_335[0] : i32 from vector<1xi32>
          %parallel_loop3A_337 = arith.constant 14 : i32
          %parallel_loop3A_338 = arith.shrui %parallel_loop3A_336, %parallel_loop3A_337 : i32
          %parallel_loop3A_339 = arith.constant 16383 : i32
          %parallel_loop3A_340 = arith.andi %parallel_loop3A_336, %parallel_loop3A_339 : i32
          %parallel_loop3A_341 = arith.subi %parallel_loop3A_340, %mul3A_2 : i32
          %parallel_loop3A_342 = arith.constant 28 : i32
          %parallel_loop3A_343 = arith.muli %parallel_loop3A_341, %parallel_loop3A_342 : i32
          %parallel_loop3A_344 = arith.addi %parallel_loop3A_343, %parallel_loop3A_338 : i32
          %parallel_loop3A_345 = vector.broadcast %parallel_loop3A_344 : i32 to vector<16xi32>
          %parallel_loop3A_346 = vector.broadcast %parallel_loop3A_329 : f32 to vector<16xf32>
          tpu.vector_store_idx %arg17[%parallel_loop3A_345], %parallel_loop3A_346 masked %eq3A_56 : memref<14336xf32, #tpu.memory_space<vmem>>[vector<16xi32>], vector<16xf32>, vector<16xi1>
        } {sc.loop_unroll_factor = 4 : i64, sc.parallel_access}
      } else {
      }
      %jit3A_190 = arith.constant 2 : i32
      %eq3A_191 = arith.constant 0 : i32
      %eq3A_192 = arith.cmpi eq, %jit3A_190, %eq3A_191 : i32
      %jit3A_193 = arith.constant 1 : i32
      %select_n3A_194 = arith.select %eq3A_192, %jit3A_193, %jit3A_190 : i32
      %rem3A_195 = arith.remsi %while3A_168, %select_n3A_194 : i32
      %ne3A_196 = arith.constant 0 : i32
      %ne3A_197 = arith.cmpi ne, %rem3A_195, %ne3A_196 : i32
      %lt3A_198 = arith.constant 0 : i32
      %lt3A_199 = arith.cmpi slt, %rem3A_195, %lt3A_198 : i32
      %lt3A_200 = arith.constant 0 : i32
      %lt3A_201 = arith.cmpi slt, %select_n3A_194, %lt3A_200 : i32
      %ne3A_202 = arith.xori %lt3A_199, %lt3A_201 : i1
      %and3A_203 = arith.andi %ne3A_202, %ne3A_197 : i1
      %add3A_204 = arith.addi %rem3A_195, %select_n3A_194 : i32
      %select_n3A_205 = arith.select %and3A_203, %add3A_204, %rem3A_195 : i32
      %eq3A_206 = arith.constant 1 : i32
      %eq3A_207 = arith.cmpi eq, %select_n3A_205, %eq3A_206 : i32
      %convert_element_type3A_208 = arith.extui %eq3A_207 : i1 to i32
      %cond3A_209 = arith.constant 0 : i32
      %cond3A_210 = arith.cmpi ne, %convert_element_type3A_208, %cond3A_209 : i32
      scf.if %cond3A_210 {
        %add3A_212 = arith.constant 1 : i32
        %add3A_213 = arith.addi %while3A_168, %add3A_212 : i32
        %lt3A_214 = arith.cmpi slt, %add3A_213, %select_n3A : i32
        %convert_element_type3A_215 = arith.extui %lt3A_214 : i1 to i32
        %cond3A_216 = arith.constant 0 : i32
        %cond3A_217 = arith.cmpi ne, %convert_element_type3A_215, %cond3A_216 : i32
        scf.if %cond3A_217 {
          %add3A_237 = arith.constant 1 : i32
          %add3A_238 = arith.addi %while3A_168, %add3A_237 : i32
          %mul3A_239 = arith.constant 128 : i32
          %mul3A_240 = arith.muli %add3A_238, %mul3A_239 : i32
          %dma_start3A_241 = arith.constant 0 : i32
          %dma_start3A_242 = arith.constant 0 : i32
          %dma_start3A_243 = arith.constant 0 : i32
          %dma_start3A_244 = tpu.memref_slice %arg16[%dma_start3A_241, %dma_start3A_242, %dma_start3A_243] : memref<2x128x128xf32, #tpu.memory_space<vmem>> -> memref<1x128x128xf32, #tpu.memory_space<vmem>>
          %dma_start3A_245 = tpu.memref_squeeze %dma_start3A_244 : memref<1x128x128xf32, #tpu.memory_space<vmem>> -> memref<128x128xf32, #tpu.memory_space<vmem>>
          %dma_start3A_246 = tpu.memref_slice %arg12[%mul3A_240] : memref<14592xi32, #tpu.memory_space<vmem>> -> memref<128xi32, #tpu.memory_space<vmem>>
          %dma_start3A_247 = arith.constant 0 : i32
          %dma_start3A_248 = arith.constant 0 : i32
          %dma_start3A_249 = tpu.memref_slice %arg2[%dma_start3A_247, %dma_start3A_248] : memref<458752x128xf32, #tpu.memory_space<hbm>> -> memref<458752x128xf32, #tpu.memory_space<hbm>>
          tpu.enqueue_indirect_dma source(%dma_start3A_249 : memref<458752x128xf32, #tpu.memory_space<hbm>>) target(%dma_start3A_245 : memref<128x128xf32, #tpu.memory_space<vmem>>) offsets(%dma_start3A_246 : memref<128xi32, #tpu.memory_space<vmem>>) semaphore(%arg18 : memref<!tpu.dma_semaphore, #tpu.memory_space<semaphore_mem>>)
        } else {
        }
        %dma_wait3A_218 = arith.constant 1 : i32
        %dma_wait3A_219 = arith.constant 0 : i32
        %dma_wait3A_220 = arith.constant 0 : i32
        %dma_wait3A_221 = tpu.memref_slice %arg16[%dma_wait3A_218, %dma_wait3A_219, %dma_wait3A_220] : memref<2x128x128xf32, #tpu.memory_space<vmem>> -> memref<1x128x128xf32, #tpu.memory_space<vmem>>
        %dma_wait3A_222 = tpu.memref_squeeze %dma_wait3A_221 : memref<1x128x128xf32, #tpu.memory_space<vmem>> -> memref<128x128xf32, #tpu.memory_space<vmem>>
        %dma_wait3A_223 = arith.constant 0 : i32
        %dma_wait3A_224 = arith.constant 0 : i32
        %dma_wait3A_225 = tpu.memref_slice %arg2[%dma_wait3A_223, %dma_wait3A_224] : memref<458752x128xf32, #tpu.memory_space<hbm>> -> memref<128x128xf32, #tpu.memory_space<hbm>>
        %dma_wait3A_226 = arith.constant 0 : i32
        %dma_wait3A_227 = arith.constant 0 : i32
        %dma_wait3A_228 = tpu.memref_slice %arg16[%dma_wait3A_218, %dma_wait3A_226, %dma_wait3A_227] : memref<2x128x128xf32, #tpu.memory_space<vmem>> -> memref<1x128x128xf32, #tpu.memory_space<vmem>>
        %dma_wait3A_229 = tpu.memref_squeeze %dma_wait3A_228 : memref<1x128x128xf32, #tpu.memory_space<vmem>> -> memref<128x128xf32, #tpu.memory_space<vmem>>
        %dma_wait3A_230 = arith.constant 0 : i32
        %dma_wait3A_231 = arith.constant 0 : i32
        %dma_wait3A_232 = tpu.memref_slice %arg2[%dma_wait3A_230, %dma_wait3A_231] : memref<458752x128xf32, #tpu.memory_space<hbm>> -> memref<128x128xf32, #tpu.memory_space<hbm>>
        tpu.wait_dma2 semaphore(%arg19 : memref<!tpu.dma_semaphore, #tpu.memory_space<semaphore_mem>>) src(%dma_wait3A_232 : memref<128x128xf32, #tpu.memory_space<hbm>>) dst(%dma_wait3A_229 : memref<128x128xf32, #tpu.memory_space<vmem>>)
        %parallel_loop3A_233 = arith.constant 0 : i32
        %parallel_loop3A_234 = arith.constant 128 : i32
        %parallel_loop3A_235 = arith.constant 1 : i32
        %parallel_loop3A_236 = arith.constant 1 : i32
        scf.for %parallel_loop3A_237 = %parallel_loop3A_233 to %parallel_loop3A_234 step %parallel_loop3A_235  : i32 {
          %parallel_loop3A_238 = arith.constant 0 : i32
          %parallel_loop3A_239 = arith.constant 0 : i32
          %parallel_loop3A_240 = tpu.memref_slice %arg16[%parallel_loop3A_236, %parallel_loop3A_238, %parallel_loop3A_239] : memref<2x128x128xf32, #tpu.memory_space<vmem>> -> memref<1x128x128xf32, #tpu.memory_space<vmem>>
          %parallel_loop3A_241 = tpu.memref_squeeze %parallel_loop3A_240 : memref<1x128x128xf32, #tpu.memory_space<vmem>> -> memref<128x128xf32, #tpu.memory_space<vmem>>
          %parallel_loop3A_242 = arith.constant 0 : i32
          %parallel_loop3A_243 = tpu.memref_slice %parallel_loop3A_241[%parallel_loop3A_237, %parallel_loop3A_242] : memref<128x128xf32, #tpu.memory_space<vmem>> -> memref<1x128xf32, #tpu.memory_space<vmem>>
          %parallel_loop3A_244 = tpu.memref_squeeze %parallel_loop3A_243 : memref<1x128xf32, #tpu.memory_space<vmem>> -> memref<128xf32, #tpu.memory_space<vmem>>
          %parallel_loop3A_245 = arith.constant 0 : index
          %parallel_loop3A_246 = tpu.vector_load %parallel_loop3A_244[%parallel_loop3A_245] {strides = array<i32>} : memref<128xf32, #tpu.memory_space<vmem>>, vector<16xf32>,
          %parallel_loop3A_247 = arith.mulf %get3A_40, %parallel_loop3A_246 : vector<16xf32>
          %parallel_loop3A_248 = arith.constant 0 : i32
          %parallel_loop3A_249 = arith.constant 0 : i32
          %parallel_loop3A_250 = tpu.memref_slice %arg16[%parallel_loop3A_236, %parallel_loop3A_248, %parallel_loop3A_249] : memref<2x128x128xf32, #tpu.memory_space<vmem>> -> memref<1x128x128xf32, #tpu.memory_space<vmem>>
          %parallel_loop3A_251 = tpu.memref_squeeze %parallel_loop3A_250 : memref<1x128x128xf32, #tpu.memory_space<vmem>> -> memref<128x128xf32, #tpu.memory_space<vmem>>
          %parallel_loop3A_252 = arith.constant 0 : i32
          %parallel_loop3A_253 = tpu.memref_slice %parallel_loop3A_251[%parallel_loop3A_237, %parallel_loop3A_252] : memref<128x128xf32, #tpu.memory_space<vmem>> -> memref<1x128xf32, #tpu.memory_space<vmem>>
          %parallel_loop3A_254 = tpu.memref_squeeze %parallel_loop3A_253 : memref<1x128xf32, #tpu.memory_space<vmem>> -> memref<128xf32, #tpu.memory_space<vmem>>
          %parallel_loop3A_255 = arith.constant 16 : index
          %parallel_loop3A_256 = tpu.vector_load %parallel_loop3A_254[%parallel_loop3A_255] {strides = array<i32>} : memref<128xf32, #tpu.memory_space<vmem>>, vector<16xf32>,
          %parallel_loop3A_257 = arith.mulf %get3A_42, %parallel_loop3A_256 : vector<16xf32>
          %parallel_loop3A_258 = arith.addf %parallel_loop3A_247, %parallel_loop3A_257 : vector<16xf32>
          %parallel_loop3A_259 = arith.constant 0 : i32
          %parallel_loop3A_260 = arith.constant 0 : i32
          %parallel_loop3A_261 = tpu.memref_slice %arg16[%parallel_loop3A_236, %parallel_loop3A_259, %parallel_loop3A_260] : memref<2x128x128xf32, #tpu.memory_space<vmem>> -> memref<1x128x128xf32, #tpu.memory_space<vmem>>
          %parallel_loop3A_262 = tpu.memref_squeeze %parallel_loop3A_261 : memref<1x128x128xf32, #tpu.memory_space<vmem>> -> memref<128x128xf32, #tpu.memory_space<vmem>>
          %parallel_loop3A_263 = arith.constant 0 : i32
          %parallel_loop3A_264 = tpu.memref_slice %parallel_loop3A_262[%parallel_loop3A_237, %parallel_loop3A_263] : memref<128x128xf32, #tpu.memory_space<vmem>> -> memref<1x128xf32, #tpu.memory_space<vmem>>
          %parallel_loop3A_265 = tpu.memref_squeeze %parallel_loop3A_264 : memref<1x128xf32, #tpu.memory_space<vmem>> -> memref<128xf32, #tpu.memory_space<vmem>>
          %parallel_loop3A_266 = arith.constant 32 : index
          %parallel_loop3A_267 = tpu.vector_load %parallel_loop3A_265[%parallel_loop3A_266] {strides = array<i32>} : memref<128xf32, #tpu.memory_space<vmem>>, vector<16xf32>,
          %parallel_loop3A_268 = arith.mulf %get3A_44, %parallel_loop3A_267 : vector<16xf32>
          %parallel_loop3A_269 = arith.addf %parallel_loop3A_258, %parallel_loop3A_268 : vector<16xf32>
          %parallel_loop3A_270 = arith.constant 0 : i32
          %parallel_loop3A_271 = arith.constant 0 : i32
          %parallel_loop3A_272 = tpu.memref_slice %arg16[%parallel_loop3A_236, %parallel_loop3A_270, %parallel_loop3A_271] : memref<2x128x128xf32, #tpu.memory_space<vmem>> -> memref<1x128x128xf32, #tpu.memory_space<vmem>>
          %parallel_loop3A_273 = tpu.memref_squeeze %parallel_loop3A_272 : memref<1x128x128xf32, #tpu.memory_space<vmem>> -> memref<128x128xf32, #tpu.memory_space<vmem>>
          %parallel_loop3A_274 = arith.constant 0 : i32
          %parallel_loop3A_275 = tpu.memref_slice %parallel_loop3A_273[%parallel_loop3A_237, %parallel_loop3A_274] : memref<128x128xf32, #tpu.memory_space<vmem>> -> memref<1x128xf32, #tpu.memory_space<vmem>>
          %parallel_loop3A_276 = tpu.memref_squeeze %parallel_loop3A_275 : memref<1x128xf32, #tpu.memory_space<vmem>> -> memref<128xf32, #tpu.memory_space<vmem>>
          %parallel_loop3A_277 = arith.constant 48 : index
          %parallel_loop3A_278 = tpu.vector_load %parallel_loop3A_276[%parallel_loop3A_277] {strides = array<i32>} : memref<128xf32, #tpu.memory_space<vmem>>, vector<16xf32>,
          %parallel_loop3A_279 = arith.mulf %get3A_46, %parallel_loop3A_278 : vector<16xf32>
          %parallel_loop3A_280 = arith.addf %parallel_loop3A_269, %parallel_loop3A_279 : vector<16xf32>
          %parallel_loop3A_281 = arith.constant 0 : i32
          %parallel_loop3A_282 = arith.constant 0 : i32
          %parallel_loop3A_283 = tpu.memref_slice %arg16[%parallel_loop3A_236, %parallel_loop3A_281, %parallel_loop3A_282] : memref<2x128x128xf32, #tpu.memory_space<vmem>> -> memref<1x128x128xf32, #tpu.memory_space<vmem>>
          %parallel_loop3A_284 = tpu.memref_squeeze %parallel_loop3A_283 : memref<1x128x128xf32, #tpu.memory_space<vmem>> -> memref<128x128xf32, #tpu.memory_space<vmem>>
          %parallel_loop3A_285 = arith.constant 0 : i32
          %parallel_loop3A_286 = tpu.memref_slice %parallel_loop3A_284[%parallel_loop3A_237, %parallel_loop3A_285] : memref<128x128xf32, #tpu.memory_space<vmem>> -> memref<1x128xf32, #tpu.memory_space<vmem>>
          %parallel_loop3A_287 = tpu.memref_squeeze %parallel_loop3A_286 : memref<1x128xf32, #tpu.memory_space<vmem>> -> memref<128xf32, #tpu.memory_space<vmem>>
          %parallel_loop3A_288 = arith.constant 64 : index
          %parallel_loop3A_289 = tpu.vector_load %parallel_loop3A_287[%parallel_loop3A_288] {strides = array<i32>} : memref<128xf32, #tpu.memory_space<vmem>>, vector<16xf32>,
          %parallel_loop3A_290 = arith.mulf %get3A_48, %parallel_loop3A_289 : vector<16xf32>
          %parallel_loop3A_291 = arith.addf %parallel_loop3A_280, %parallel_loop3A_290 : vector<16xf32>
          %parallel_loop3A_292 = arith.constant 0 : i32
          %parallel_loop3A_293 = arith.constant 0 : i32
          %parallel_loop3A_294 = tpu.memref_slice %arg16[%parallel_loop3A_236, %parallel_loop3A_292, %parallel_loop3A_293] : memref<2x128x128xf32, #tpu.memory_space<vmem>> -> memref<1x128x128xf32, #tpu.memory_space<vmem>>
          %parallel_loop3A_295 = tpu.memref_squeeze %parallel_loop3A_294 : memref<1x128x128xf32, #tpu.memory_space<vmem>> -> memref<128x128xf32, #tpu.memory_space<vmem>>
          %parallel_loop3A_296 = arith.constant 0 : i32
          %parallel_loop3A_297 = tpu.memref_slice %parallel_loop3A_295[%parallel_loop3A_237, %parallel_loop3A_296] : memref<128x128xf32, #tpu.memory_space<vmem>> -> memref<1x128xf32, #tpu.memory_space<vmem>>
          %parallel_loop3A_298 = tpu.memref_squeeze %parallel_loop3A_297 : memref<1x128xf32, #tpu.memory_space<vmem>> -> memref<128xf32, #tpu.memory_space<vmem>>
          %parallel_loop3A_299 = arith.constant 80 : index
          %parallel_loop3A_300 = tpu.vector_load %parallel_loop3A_298[%parallel_loop3A_299] {strides = array<i32>} : memref<128xf32, #tpu.memory_space<vmem>>, vector<16xf32>,
          %parallel_loop3A_301 = arith.mulf %get3A_50, %parallel_loop3A_300 : vector<16xf32>
          %parallel_loop3A_302 = arith.addf %parallel_loop3A_291, %parallel_loop3A_301 : vector<16xf32>
          %parallel_loop3A_303 = arith.constant 0 : i32
          %parallel_loop3A_304 = arith.constant 0 : i32
          %parallel_loop3A_305 = tpu.memref_slice %arg16[%parallel_loop3A_236, %parallel_loop3A_303, %parallel_loop3A_304] : memref<2x128x128xf32, #tpu.memory_space<vmem>> -> memref<1x128x128xf32, #tpu.memory_space<vmem>>
          %parallel_loop3A_306 = tpu.memref_squeeze %parallel_loop3A_305 : memref<1x128x128xf32, #tpu.memory_space<vmem>> -> memref<128x128xf32, #tpu.memory_space<vmem>>
          %parallel_loop3A_307 = arith.constant 0 : i32
          %parallel_loop3A_308 = tpu.memref_slice %parallel_loop3A_306[%parallel_loop3A_237, %parallel_loop3A_307] : memref<128x128xf32, #tpu.memory_space<vmem>> -> memref<1x128xf32, #tpu.memory_space<vmem>>
          %parallel_loop3A_309 = tpu.memref_squeeze %parallel_loop3A_308 : memref<1x128xf32, #tpu.memory_space<vmem>> -> memref<128xf32, #tpu.memory_space<vmem>>
          %parallel_loop3A_310 = arith.constant 96 : index
          %parallel_loop3A_311 = tpu.vector_load %parallel_loop3A_309[%parallel_loop3A_310] {strides = array<i32>} : memref<128xf32, #tpu.memory_space<vmem>>, vector<16xf32>,
          %parallel_loop3A_312 = arith.mulf %get3A_52, %parallel_loop3A_311 : vector<16xf32>
          %parallel_loop3A_313 = arith.addf %parallel_loop3A_302, %parallel_loop3A_312 : vector<16xf32>
          %parallel_loop3A_314 = arith.constant 0 : i32
          %parallel_loop3A_315 = arith.constant 0 : i32
          %parallel_loop3A_316 = tpu.memref_slice %arg16[%parallel_loop3A_236, %parallel_loop3A_314, %parallel_loop3A_315] : memref<2x128x128xf32, #tpu.memory_space<vmem>> -> memref<1x128x128xf32, #tpu.memory_space<vmem>>
          %parallel_loop3A_317 = tpu.memref_squeeze %parallel_loop3A_316 : memref<1x128x128xf32, #tpu.memory_space<vmem>> -> memref<128x128xf32, #tpu.memory_space<vmem>>
          %parallel_loop3A_318 = arith.constant 0 : i32
          %parallel_loop3A_319 = tpu.memref_slice %parallel_loop3A_317[%parallel_loop3A_237, %parallel_loop3A_318] : memref<128x128xf32, #tpu.memory_space<vmem>> -> memref<1x128xf32, #tpu.memory_space<vmem>>
          %parallel_loop3A_320 = tpu.memref_squeeze %parallel_loop3A_319 : memref<1x128xf32, #tpu.memory_space<vmem>> -> memref<128xf32, #tpu.memory_space<vmem>>
          %parallel_loop3A_321 = arith.constant 112 : index
          %parallel_loop3A_322 = tpu.vector_load %parallel_loop3A_320[%parallel_loop3A_321] {strides = array<i32>} : memref<128xf32, #tpu.memory_space<vmem>>, vector<16xf32>,
          %parallel_loop3A_323 = arith.mulf %get3A_54, %parallel_loop3A_322 : vector<16xf32>
          %parallel_loop3A_324 = arith.addf %parallel_loop3A_313, %parallel_loop3A_323 : vector<16xf32>
          %parallel_loop3A_325 = arith.constant true
          %parallel_loop3A_326 = vector.broadcast %parallel_loop3A_325 : i1 to vector<16xi1>
          %parallel_loop3A_327 = tpu.scan <sum>, %parallel_loop3A_324 masked %parallel_loop3A_326 : vector<16xf32>, vector<16xi1> -> vector<16xf32>
          %parallel_loop3A_328 = vector.extract %parallel_loop3A_327[15] : f32 from vector<16xf32>
          %parallel_loop3A_329 = arith.addf %parallel_loop3A_328, %squeeze3A : f32
          %parallel_loop3A_330 = arith.constant 128 : i32
          %parallel_loop3A_331 = arith.muli %while3A_168, %parallel_loop3A_330 : i32
          %parallel_loop3A_332 = arith.addi %parallel_loop3A_331, %parallel_loop3A_237 : i32
          %parallel_loop3A_333 = arith.index_cast %parallel_loop3A_332 : i32 to index
          %parallel_loop3A_334 = tpu.vector_load %arg12[%parallel_loop3A_333] {strides = array<i32>} : memref<14592xi32, #tpu.memory_space<vmem>>, vector<16xi32>,
          %parallel_loop3A_335 = vector.extract_strided_slice %parallel_loop3A_334 {offsets = [0], sizes = [1], strides = [1]} : vector<16xi32> to vector<1xi32>
          %parallel_loop3A_336 = vector.extract %parallel_loop3A_335[0] : i32 from vector<1xi32>
          %parallel_loop3A_337 = arith.constant 14 : i32
          %parallel_loop3A_338 = arith.shrui %parallel_loop3A_336, %parallel_loop3A_337 : i32
          %parallel_loop3A_339 = arith.constant 16383 : i32
          %parallel_loop3A_340 = arith.andi %parallel_loop3A_336, %parallel_loop3A_339 : i32
          %parallel_loop3A_341 = arith.subi %parallel_loop3A_340, %mul3A_2 : i32
          %parallel_loop3A_342 = arith.constant 28 : i32
          %parallel_loop3A_343 = arith.muli %parallel_loop3A_341, %parallel_loop3A_342 : i32
          %parallel_loop3A_344 = arith.addi %parallel_loop3A_343, %parallel_loop3A_338 : i32
          %parallel_loop3A_345 = vector.broadcast %parallel_loop3A_344 : i32 to vector<16xi32>
          %parallel_loop3A_346 = vector.broadcast %parallel_loop3A_329 : f32 to vector<16xf32>
          tpu.vector_store_idx %arg17[%parallel_loop3A_345], %parallel_loop3A_346 masked %eq3A_56 : memref<14336xf32, #tpu.memory_space<vmem>>[vector<16xi32>], vector<16xf32>, vector<16xi1>
        } {sc.loop_unroll_factor = 4 : i64, sc.parallel_access}
      } else {
      }
      %while3A_211 = arith.constant 0 : i32
      scf.yield %while3A_211 : i32
    }
    %mul3A_70 = arith.constant 28 : i32
    %mul3A_71 = arith.muli %mul3A_2, %mul3A_70 : i32
    "tpu.region"() ({
      %run_scoped3A_168 = tpu.sem_alloc : memref<!tpu.dma_semaphore, #tpu.memory_space<semaphore_mem>>
      %dma_start3A_169 = tpu.memref_slice %arg7[%mul3A_71] : memref<458752xf32, #tpu.memory_space<hbm>> -> memref<14336xf32, #tpu.memory_space<hbm>>
      %dma_start3A_170 = tpu.memref_slice %arg7[%mul3A_71] : memref<458752xf32, #tpu.memory_space<hbm>> -> memref<14336xf32, #tpu.memory_space<hbm>>
      tpu.enqueue_dma source(%arg17 : memref<14336xf32, #tpu.memory_space<vmem>>) target(%dma_start3A_170 : memref<14336xf32, #tpu.memory_space<hbm>>) target_semaphore(%run_scoped3A_168 : memref<!tpu.dma_semaphore, #tpu.memory_space<semaphore_mem>>)
      %dma_wait3A_171 = tpu.memref_slice %arg7[%mul3A_71] : memref<458752xf32, #tpu.memory_space<hbm>> -> memref<14336xf32, #tpu.memory_space<hbm>>
      %dma_wait3A_172 = tpu.memref_slice %arg7[%mul3A_71] : memref<458752xf32, #tpu.memory_space<hbm>> -> memref<14336xf32, #tpu.memory_space<hbm>>
      tpu.wait_dma2 semaphore(%run_scoped3A_168 : memref<!tpu.dma_semaphore, #tpu.memory_space<semaphore_mem>>) src(%arg17 : memref<14336xf32, #tpu.memory_space<vmem>>) dst(%dma_wait3A_172 : memref<14336xf32, #tpu.memory_space<hbm>>)
      tpu.yield
    }) : () -> ()
    %scan3A_72 = arith.constant 0 : i32
    %scan3A_73 = arith.constant 0 : i32
    %scan3A_74 = arith.constant 32 : i32
    %scan3A_75 = arith.addi %scan3A_73, %scan3A_74 : i32
    %scan3A_76 = arith.constant 1 : i32
    %scan3A_77 = scf.for %scan3A_168 = %scan3A_73 to %scan3A_75 step %scan3A_76 iter_args(%scan3A_169 = %scan3A_72) -> (i32)  : i32 {
      %mul3A_170 = arith.constant 16 : i32
      %mul3A_171 = arith.muli %scan3A_168, %mul3A_170 : i32
      %get3A_172 = arith.index_cast %mul3A_171 : i32 to index
      %get3A_173 = tpu.vector_load %arg10[%get3A_172] {strides = array<i32>} : memref<512xi32, #tpu.memory_space<vmem>>, vector<16xi32>,
      %mul3A_174 = arith.constant 16384 : i32
      %mul3A_175 = vector.broadcast %mul3A_174 : i32 to vector<16xi32>
      %mul3A_176 = arith.muli %get3A_173, %mul3A_175 : vector<16xi32>
      %mul3A_177 = arith.constant 16 : i32
      %mul3A_178 = arith.muli %scan3A_168, %mul3A_177 : i32
      %add3A_179 = arith.addi %mul3A_2, %mul3A_178 : i32
      %add3A_180 = vector.broadcast %add3A_179 : i32 to vector<16xi32>
      %add3A_181 = arith.addi %mul3A_176, %add3A_180 : vector<16xi32>
      %add3A_182 = arith.addi %add3A_181, %iota3A : vector<16xi32>
      %mul3A_183 = arith.constant 16 : i32
      %mul3A_184 = arith.muli %scan3A_168, %mul3A_183 : i32
      %swap3A = arith.index_cast %mul3A_184 : i32 to index
      %swap3A_185 = tpu.vector_load %arg13[%swap3A] {strides = array<i32>} : memref<512xi32, #tpu.memory_space<vmem>>, vector<16xi32>,
      tpu.vector_store %arg13[%swap3A], %add3A_182 {strides = array<i32>} : memref<512xi32, #tpu.memory_space<vmem>>, vector<16xi32>,
      %scan3A_186 = arith.constant 0 : i32
      scf.yield %scan3A_186 : i32
    }
    %scan3A_78 = arith.constant 32 : i32
    %dma_start3A = arith.constant 0 : i32
    %dma_start3A_79 = arith.constant 0 : i32
    %dma_start3A_80 = arith.constant 0 : i32
    %dma_start3A_81 = tpu.memref_slice %arg16[%dma_start3A, %dma_start3A_79, %dma_start3A_80] : memref<2x128x128xf32, #tpu.memory_space<vmem>> -> memref<1x128x128xf32, #tpu.memory_space<vmem>>
    %dma_start3A_82 = tpu.memref_squeeze %dma_start3A_81 : memref<1x128x128xf32, #tpu.memory_space<vmem>> -> memref<128x128xf32, #tpu.memory_space<vmem>>
    %dma_start3A_83 = arith.constant 0 : i32
    %dma_start3A_84 = tpu.memref_slice %arg13[%dma_start3A_83] : memref<512xi32, #tpu.memory_space<vmem>> -> memref<128xi32, #tpu.memory_space<vmem>>
    %dma_start3A_85 = arith.constant 0 : i32
    %dma_start3A_86 = arith.constant 0 : i32
    %dma_start3A_87 = tpu.memref_slice %arg2[%dma_start3A_85, %dma_start3A_86] : memref<458752x128xf32, #tpu.memory_space<hbm>> -> memref<458752x128xf32, #tpu.memory_space<hbm>>
    tpu.enqueue_indirect_dma source(%dma_start3A_87 : memref<458752x128xf32, #tpu.memory_space<hbm>>) target(%dma_start3A_82 : memref<128x128xf32, #tpu.memory_space<vmem>>) offsets(%dma_start3A_84 : memref<128xi32, #tpu.memory_space<vmem>>) semaphore(%arg18 : memref<!tpu.dma_semaphore, #tpu.memory_space<semaphore_mem>>)
    %dma_wait3A = arith.constant 0 : i32
    %dma_wait3A_88 = arith.constant 0 : i32
    %dma_wait3A_89 = arith.constant 0 : i32
    %dma_wait3A_90 = tpu.memref_slice %arg16[%dma_wait3A, %dma_wait3A_88, %dma_wait3A_89] : memref<2x128x128xf32, #tpu.memory_space<vmem>> -> memref<1x128x128xf32, #tpu.memory_space<vmem>>
    %dma_wait3A_91 = tpu.memref_squeeze %dma_wait3A_90 : memref<1x128x128xf32, #tpu.memory_space<vmem>> -> memref<128x128xf32, #tpu.memory_space<vmem>>
    %dma_wait3A_92 = arith.constant 0 : i32
    %dma_wait3A_93 = tpu.memref_slice %arg13[%dma_wait3A_92] : memref<512xi32, #tpu.memory_space<vmem>> -> memref<128xi32, #tpu.memory_space<vmem>>
    %dma_wait3A_94 = arith.constant 0 : i32
    %dma_wait3A_95 = arith.constant 0 : i32
    %dma_wait3A_96 = tpu.memref_slice %arg2[%dma_wait3A_94, %dma_wait3A_95] : memref<458752x128xf32, #tpu.memory_space<hbm>> -> memref<458752x128xf32, #tpu.memory_space<hbm>>
    tpu.wait_indirect_dma semaphore(%arg18 : memref<!tpu.dma_semaphore, #tpu.memory_space<semaphore_mem>>) src(%dma_wait3A_96 : memref<458752x128xf32, #tpu.memory_space<hbm>>) dst(%dma_wait3A_91 : memref<128x128xf32, #tpu.memory_space<vmem>>)
    %add3A_97 = arith.constant 0 : i32
    %add3A_98 = arith.addi %mul3A_2, %add3A_97 : i32
    %run_scoped3A = arith.constant 0 : i32
    "tpu.region"() ({
      %run_scoped3A_168 = tpu.sem_alloc : memref<!tpu.dma_semaphore, #tpu.memory_space<semaphore_mem>>
      %dma_start3A_169 = arith.constant 0 : i32
      %dma_start3A_170 = arith.constant 0 : i32
      %dma_start3A_171 = tpu.memref_slice %arg16[%run_scoped3A, %dma_start3A_169, %dma_start3A_170] : memref<2x128x128xf32, #tpu.memory_space<vmem>> -> memref<1x128x128xf32, #tpu.memory_space<vmem>>
      %dma_start3A_172 = tpu.memref_squeeze %dma_start3A_171 : memref<1x128x128xf32, #tpu.memory_space<vmem>> -> memref<128x128xf32, #tpu.memory_space<vmem>>
      %dma_start3A_173 = arith.constant 0 : i32
      %dma_start3A_174 = tpu.memref_slice %arg8[%add3A_98, %dma_start3A_173] : memref<16384x128xf32, #tpu.memory_space<hbm>> -> memref<128x128xf32, #tpu.memory_space<hbm>>
      %dma_start3A_175 = arith.constant 0 : i32
      %dma_start3A_176 = tpu.memref_slice %arg8[%add3A_98, %dma_start3A_175] : memref<16384x128xf32, #tpu.memory_space<hbm>> -> memref<128x128xf32, #tpu.memory_space<hbm>>
      %dma_start3A_177 = arith.constant 0 : i32
      %dma_start3A_178 = arith.constant 0 : i32
      %dma_start3A_179 = tpu.memref_slice %arg16[%run_scoped3A, %dma_start3A_177, %dma_start3A_178] : memref<2x128x128xf32, #tpu.memory_space<vmem>> -> memref<1x128x128xf32, #tpu.memory_space<vmem>>
      %dma_start3A_180 = tpu.memref_squeeze %dma_start3A_179 : memref<1x128x128xf32, #tpu.memory_space<vmem>> -> memref<128x128xf32, #tpu.memory_space<vmem>>
      tpu.enqueue_dma source(%dma_start3A_180 : memref<128x128xf32, #tpu.memory_space<vmem>>) target(%dma_start3A_176 : memref<128x128xf32, #tpu.memory_space<hbm>>) target_semaphore(%run_scoped3A_168 : memref<!tpu.dma_semaphore, #tpu.memory_space<semaphore_mem>>)
      %dma_wait3A_181 = arith.constant 0 : i32
      %dma_wait3A_182 = arith.constant 0 : i32
      %dma_wait3A_183 = tpu.memref_slice %arg16[%run_scoped3A, %dma_wait3A_181, %dma_wait3A_182] : memref<2x128x128xf32, #tpu.memory_space<vmem>> -> memref<1x128x128xf32, #tpu.memory_space<vmem>>
      %dma_wait3A_184 = tpu.memref_squeeze %dma_wait3A_183 : memref<1x128x128xf32, #tpu.memory_space<vmem>> -> memref<128x128xf32, #tpu.memory_space<vmem>>
      %dma_wait3A_185 = arith.constant 0 : i32
      %dma_wait3A_186 = tpu.memref_slice %arg8[%add3A_98, %dma_wait3A_185] : memref<16384x128xf32, #tpu.memory_space<hbm>> -> memref<128x128xf32, #tpu.memory_space<hbm>>
      %dma_wait3A_187 = arith.constant 0 : i32
      %dma_wait3A_188 = tpu.memref_slice %arg8[%add3A_98, %dma_wait3A_187] : memref<16384x128xf32, #tpu.memory_space<hbm>> -> memref<128x128xf32, #tpu.memory_space<hbm>>
      %dma_wait3A_189 = arith.constant 0 : i32
      %dma_wait3A_190 = arith.constant 0 : i32
      %dma_wait3A_191 = tpu.memref_slice %arg16[%run_scoped3A, %dma_wait3A_189, %dma_wait3A_190] : memref<2x128x128xf32, #tpu.memory_space<vmem>> -> memref<1x128x128xf32, #tpu.memory_space<vmem>>
      %dma_wait3A_192 = tpu.memref_squeeze %dma_wait3A_191 : memref<1x128x128xf32, #tpu.memory_space<vmem>> -> memref<128x128xf32, #tpu.memory_space<vmem>>
      tpu.wait_dma2 semaphore(%run_scoped3A_168 : memref<!tpu.dma_semaphore, #tpu.memory_space<semaphore_mem>>) src(%dma_wait3A_192 : memref<128x128xf32, #tpu.memory_space<vmem>>) dst(%dma_wait3A_188 : memref<128x128xf32, #tpu.memory_space<hbm>>)
      tpu.yield
    }) : () -> ()
    %dma_start3A_99 = arith.constant 0 : i32
    %dma_start3A_100 = arith.constant 0 : i32
    %dma_start3A_101 = arith.constant 0 : i32
    %dma_start3A_102 = tpu.memref_slice %arg16[%dma_start3A_99, %dma_start3A_100, %dma_start3A_101] : memref<2x128x128xf32, #tpu.memory_space<vmem>> -> memref<1x128x128xf32, #tpu.memory_space<vmem>>
    %dma_start3A_103 = tpu.memref_squeeze %dma_start3A_102 : memref<1x128x128xf32, #tpu.memory_space<vmem>> -> memref<128x128xf32, #tpu.memory_space<vmem>>
    %dma_start3A_104 = arith.constant 128 : i32
    %dma_start3A_105 = tpu.memref_slice %arg13[%dma_start3A_104] : memref<512xi32, #tpu.memory_space<vmem>> -> memref<128xi32, #tpu.memory_space<vmem>>
    %dma_start3A_106 = arith.constant 0 : i32
    %dma_start3A_107 = arith.constant 0 : i32
    %dma_start3A_108 = tpu.memref_slice %arg2[%dma_start3A_106, %dma_start3A_107] : memref<458752x128xf32, #tpu.memory_space<hbm>> -> memref<458752x128xf32, #tpu.memory_space<hbm>>
    tpu.enqueue_indirect_dma source(%dma_start3A_108 : memref<458752x128xf32, #tpu.memory_space<hbm>>) target(%dma_start3A_103 : memref<128x128xf32, #tpu.memory_space<vmem>>) offsets(%dma_start3A_105 : memref<128xi32, #tpu.memory_space<vmem>>) semaphore(%arg18 : memref<!tpu.dma_semaphore, #tpu.memory_space<semaphore_mem>>)
    %dma_wait3A_109 = arith.constant 0 : i32
    %dma_wait3A_110 = arith.constant 0 : i32
    %dma_wait3A_111 = arith.constant 0 : i32
    %dma_wait3A_112 = tpu.memref_slice %arg16[%dma_wait3A_109, %dma_wait3A_110, %dma_wait3A_111] : memref<2x128x128xf32, #tpu.memory_space<vmem>> -> memref<1x128x128xf32, #tpu.memory_space<vmem>>
    %dma_wait3A_113 = tpu.memref_squeeze %dma_wait3A_112 : memref<1x128x128xf32, #tpu.memory_space<vmem>> -> memref<128x128xf32, #tpu.memory_space<vmem>>
    %dma_wait3A_114 = arith.constant 128 : i32
    %dma_wait3A_115 = tpu.memref_slice %arg13[%dma_wait3A_114] : memref<512xi32, #tpu.memory_space<vmem>> -> memref<128xi32, #tpu.memory_space<vmem>>
    %dma_wait3A_116 = arith.constant 0 : i32
    %dma_wait3A_117 = arith.constant 0 : i32
    %dma_wait3A_118 = tpu.memref_slice %arg2[%dma_wait3A_116, %dma_wait3A_117] : memref<458752x128xf32, #tpu.memory_space<hbm>> -> memref<458752x128xf32, #tpu.memory_space<hbm>>
    tpu.wait_indirect_dma semaphore(%arg18 : memref<!tpu.dma_semaphore, #tpu.memory_space<semaphore_mem>>) src(%dma_wait3A_118 : memref<458752x128xf32, #tpu.memory_space<hbm>>) dst(%dma_wait3A_113 : memref<128x128xf32, #tpu.memory_space<vmem>>)
    %add3A_119 = arith.constant 128 : i32
    %add3A_120 = arith.addi %mul3A_2, %add3A_119 : i32
    %run_scoped3A_121 = arith.constant 0 : i32
    "tpu.region"() ({
      %run_scoped3A_168 = tpu.sem_alloc : memref<!tpu.dma_semaphore, #tpu.memory_space<semaphore_mem>>
      %dma_start3A_169 = arith.constant 0 : i32
      %dma_start3A_170 = arith.constant 0 : i32
      %dma_start3A_171 = tpu.memref_slice %arg16[%run_scoped3A_121, %dma_start3A_169, %dma_start3A_170] : memref<2x128x128xf32, #tpu.memory_space<vmem>> -> memref<1x128x128xf32, #tpu.memory_space<vmem>>
      %dma_start3A_172 = tpu.memref_squeeze %dma_start3A_171 : memref<1x128x128xf32, #tpu.memory_space<vmem>> -> memref<128x128xf32, #tpu.memory_space<vmem>>
      %dma_start3A_173 = arith.constant 0 : i32
      %dma_start3A_174 = tpu.memref_slice %arg8[%add3A_120, %dma_start3A_173] : memref<16384x128xf32, #tpu.memory_space<hbm>> -> memref<128x128xf32, #tpu.memory_space<hbm>>
      %dma_start3A_175 = arith.constant 0 : i32
      %dma_start3A_176 = tpu.memref_slice %arg8[%add3A_120, %dma_start3A_175] : memref<16384x128xf32, #tpu.memory_space<hbm>> -> memref<128x128xf32, #tpu.memory_space<hbm>>
      %dma_start3A_177 = arith.constant 0 : i32
      %dma_start3A_178 = arith.constant 0 : i32
      %dma_start3A_179 = tpu.memref_slice %arg16[%run_scoped3A_121, %dma_start3A_177, %dma_start3A_178] : memref<2x128x128xf32, #tpu.memory_space<vmem>> -> memref<1x128x128xf32, #tpu.memory_space<vmem>>
      %dma_start3A_180 = tpu.memref_squeeze %dma_start3A_179 : memref<1x128x128xf32, #tpu.memory_space<vmem>> -> memref<128x128xf32, #tpu.memory_space<vmem>>
      tpu.enqueue_dma source(%dma_start3A_180 : memref<128x128xf32, #tpu.memory_space<vmem>>) target(%dma_start3A_176 : memref<128x128xf32, #tpu.memory_space<hbm>>) target_semaphore(%run_scoped3A_168 : memref<!tpu.dma_semaphore, #tpu.memory_space<semaphore_mem>>)
      %dma_wait3A_181 = arith.constant 0 : i32
      %dma_wait3A_182 = arith.constant 0 : i32
      %dma_wait3A_183 = tpu.memref_slice %arg16[%run_scoped3A_121, %dma_wait3A_181, %dma_wait3A_182] : memref<2x128x128xf32, #tpu.memory_space<vmem>> -> memref<1x128x128xf32, #tpu.memory_space<vmem>>
      %dma_wait3A_184 = tpu.memref_squeeze %dma_wait3A_183 : memref<1x128x128xf32, #tpu.memory_space<vmem>> -> memref<128x128xf32, #tpu.memory_space<vmem>>
      %dma_wait3A_185 = arith.constant 0 : i32
      %dma_wait3A_186 = tpu.memref_slice %arg8[%add3A_120, %dma_wait3A_185] : memref<16384x128xf32, #tpu.memory_space<hbm>> -> memref<128x128xf32, #tpu.memory_space<hbm>>
      %dma_wait3A_187 = arith.constant 0 : i32
      %dma_wait3A_188 = tpu.memref_slice %arg8[%add3A_120, %dma_wait3A_187] : memref<16384x128xf32, #tpu.memory_space<hbm>> -> memref<128x128xf32, #tpu.memory_space<hbm>>
      %dma_wait3A_189 = arith.constant 0 : i32
      %dma_wait3A_190 = arith.constant 0 : i32
      %dma_wait3A_191 = tpu.memref_slice %arg16[%run_scoped3A_121, %dma_wait3A_189, %dma_wait3A_190] : memref<2x128x128xf32, #tpu.memory_space<vmem>> -> memref<1x128x128xf32, #tpu.memory_space<vmem>>
      %dma_wait3A_192 = tpu.memref_squeeze %dma_wait3A_191 : memref<1x128x128xf32, #tpu.memory_space<vmem>> -> memref<128x128xf32, #tpu.memory_space<vmem>>
      tpu.wait_dma2 semaphore(%run_scoped3A_168 : memref<!tpu.dma_semaphore, #tpu.memory_space<semaphore_mem>>) src(%dma_wait3A_192 : memref<128x128xf32, #tpu.memory_space<vmem>>) dst(%dma_wait3A_188 : memref<128x128xf32, #tpu.memory_space<hbm>>)
      tpu.yield
    }) : () -> ()
    %dma_start3A_122 = arith.constant 0 : i32
    %dma_start3A_123 = arith.constant 0 : i32
    %dma_start3A_124 = arith.constant 0 : i32
    %dma_start3A_125 = tpu.memref_slice %arg16[%dma_start3A_122, %dma_start3A_123, %dma_start3A_124] : memref<2x128x128xf32, #tpu.memory_space<vmem>> -> memref<1x128x128xf32, #tpu.memory_space<vmem>>
    %dma_start3A_126 = tpu.memref_squeeze %dma_start3A_125 : memref<1x128x128xf32, #tpu.memory_space<vmem>> -> memref<128x128xf32, #tpu.memory_space<vmem>>
    %dma_start3A_127 = arith.constant 256 : i32
    %dma_start3A_128 = tpu.memref_slice %arg13[%dma_start3A_127] : memref<512xi32, #tpu.memory_space<vmem>> -> memref<128xi32, #tpu.memory_space<vmem>>
    %dma_start3A_129 = arith.constant 0 : i32
    %dma_start3A_130 = arith.constant 0 : i32
    %dma_start3A_131 = tpu.memref_slice %arg2[%dma_start3A_129, %dma_start3A_130] : memref<458752x128xf32, #tpu.memory_space<hbm>> -> memref<458752x128xf32, #tpu.memory_space<hbm>>
    tpu.enqueue_indirect_dma source(%dma_start3A_131 : memref<458752x128xf32, #tpu.memory_space<hbm>>) target(%dma_start3A_126 : memref<128x128xf32, #tpu.memory_space<vmem>>) offsets(%dma_start3A_128 : memref<128xi32, #tpu.memory_space<vmem>>) semaphore(%arg18 : memref<!tpu.dma_semaphore, #tpu.memory_space<semaphore_mem>>)
    %dma_wait3A_132 = arith.constant 0 : i32
    %dma_wait3A_133 = arith.constant 0 : i32
    %dma_wait3A_134 = arith.constant 0 : i32
    %dma_wait3A_135 = tpu.memref_slice %arg16[%dma_wait3A_132, %dma_wait3A_133, %dma_wait3A_134] : memref<2x128x128xf32, #tpu.memory_space<vmem>> -> memref<1x128x128xf32, #tpu.memory_space<vmem>>
    %dma_wait3A_136 = tpu.memref_squeeze %dma_wait3A_135 : memref<1x128x128xf32, #tpu.memory_space<vmem>> -> memref<128x128xf32, #tpu.memory_space<vmem>>
    %dma_wait3A_137 = arith.constant 256 : i32
    %dma_wait3A_138 = tpu.memref_slice %arg13[%dma_wait3A_137] : memref<512xi32, #tpu.memory_space<vmem>> -> memref<128xi32, #tpu.memory_space<vmem>>
    %dma_wait3A_139 = arith.constant 0 : i32
    %dma_wait3A_140 = arith.constant 0 : i32
    %dma_wait3A_141 = tpu.memref_slice %arg2[%dma_wait3A_139, %dma_wait3A_140] : memref<458752x128xf32, #tpu.memory_space<hbm>> -> memref<458752x128xf32, #tpu.memory_space<hbm>>
    tpu.wait_indirect_dma semaphore(%arg18 : memref<!tpu.dma_semaphore, #tpu.memory_space<semaphore_mem>>) src(%dma_wait3A_141 : memref<458752x128xf32, #tpu.memory_space<hbm>>) dst(%dma_wait3A_136 : memref<128x128xf32, #tpu.memory_space<vmem>>)
    %add3A_142 = arith.constant 256 : i32
    %add3A_143 = arith.addi %mul3A_2, %add3A_142 : i32
    %run_scoped3A_144 = arith.constant 0 : i32
    "tpu.region"() ({
      %run_scoped3A_168 = tpu.sem_alloc : memref<!tpu.dma_semaphore, #tpu.memory_space<semaphore_mem>>
      %dma_start3A_169 = arith.constant 0 : i32
      %dma_start3A_170 = arith.constant 0 : i32
      %dma_start3A_171 = tpu.memref_slice %arg16[%run_scoped3A_144, %dma_start3A_169, %dma_start3A_170] : memref<2x128x128xf32, #tpu.memory_space<vmem>> -> memref<1x128x128xf32, #tpu.memory_space<vmem>>
      %dma_start3A_172 = tpu.memref_squeeze %dma_start3A_171 : memref<1x128x128xf32, #tpu.memory_space<vmem>> -> memref<128x128xf32, #tpu.memory_space<vmem>>
      %dma_start3A_173 = arith.constant 0 : i32
      %dma_start3A_174 = tpu.memref_slice %arg8[%add3A_143, %dma_start3A_173] : memref<16384x128xf32, #tpu.memory_space<hbm>> -> memref<128x128xf32, #tpu.memory_space<hbm>>
      %dma_start3A_175 = arith.constant 0 : i32
      %dma_start3A_176 = tpu.memref_slice %arg8[%add3A_143, %dma_start3A_175] : memref<16384x128xf32, #tpu.memory_space<hbm>> -> memref<128x128xf32, #tpu.memory_space<hbm>>
      %dma_start3A_177 = arith.constant 0 : i32
      %dma_start3A_178 = arith.constant 0 : i32
      %dma_start3A_179 = tpu.memref_slice %arg16[%run_scoped3A_144, %dma_start3A_177, %dma_start3A_178] : memref<2x128x128xf32, #tpu.memory_space<vmem>> -> memref<1x128x128xf32, #tpu.memory_space<vmem>>
      %dma_start3A_180 = tpu.memref_squeeze %dma_start3A_179 : memref<1x128x128xf32, #tpu.memory_space<vmem>> -> memref<128x128xf32, #tpu.memory_space<vmem>>
      tpu.enqueue_dma source(%dma_start3A_180 : memref<128x128xf32, #tpu.memory_space<vmem>>) target(%dma_start3A_176 : memref<128x128xf32, #tpu.memory_space<hbm>>) target_semaphore(%run_scoped3A_168 : memref<!tpu.dma_semaphore, #tpu.memory_space<semaphore_mem>>)
      %dma_wait3A_181 = arith.constant 0 : i32
      %dma_wait3A_182 = arith.constant 0 : i32
      %dma_wait3A_183 = tpu.memref_slice %arg16[%run_scoped3A_144, %dma_wait3A_181, %dma_wait3A_182] : memref<2x128x128xf32, #tpu.memory_space<vmem>> -> memref<1x128x128xf32, #tpu.memory_space<vmem>>
      %dma_wait3A_184 = tpu.memref_squeeze %dma_wait3A_183 : memref<1x128x128xf32, #tpu.memory_space<vmem>> -> memref<128x128xf32, #tpu.memory_space<vmem>>
      %dma_wait3A_185 = arith.constant 0 : i32
      %dma_wait3A_186 = tpu.memref_slice %arg8[%add3A_143, %dma_wait3A_185] : memref<16384x128xf32, #tpu.memory_space<hbm>> -> memref<128x128xf32, #tpu.memory_space<hbm>>
      %dma_wait3A_187 = arith.constant 0 : i32
      %dma_wait3A_188 = tpu.memref_slice %arg8[%add3A_143, %dma_wait3A_187] : memref<16384x128xf32, #tpu.memory_space<hbm>> -> memref<128x128xf32, #tpu.memory_space<hbm>>
      %dma_wait3A_189 = arith.constant 0 : i32
      %dma_wait3A_190 = arith.constant 0 : i32
      %dma_wait3A_191 = tpu.memref_slice %arg16[%run_scoped3A_144, %dma_wait3A_189, %dma_wait3A_190] : memref<2x128x128xf32, #tpu.memory_space<vmem>> -> memref<1x128x128xf32, #tpu.memory_space<vmem>>
      %dma_wait3A_192 = tpu.memref_squeeze %dma_wait3A_191 : memref<1x128x128xf32, #tpu.memory_space<vmem>> -> memref<128x128xf32, #tpu.memory_space<vmem>>
      tpu.wait_dma2 semaphore(%run_scoped3A_168 : memref<!tpu.dma_semaphore, #tpu.memory_space<semaphore_mem>>) src(%dma_wait3A_192 : memref<128x128xf32, #tpu.memory_space<vmem>>) dst(%dma_wait3A_188 : memref<128x128xf32, #tpu.memory_space<hbm>>)
      tpu.yield
    }) : () -> ()
    %dma_start3A_145 = arith.constant 0 : i32
    %dma_start3A_146 = arith.constant 0 : i32
    %dma_start3A_147 = arith.constant 0 : i32
    %dma_start3A_148 = tpu.memref_slice %arg16[%dma_start3A_145, %dma_start3A_146, %dma_start3A_147] : memref<2x128x128xf32, #tpu.memory_space<vmem>> -> memref<1x128x128xf32, #tpu.memory_space<vmem>>
    %dma_start3A_149 = tpu.memref_squeeze %dma_start3A_148 : memref<1x128x128xf32, #tpu.memory_space<vmem>> -> memref<128x128xf32, #tpu.memory_space<vmem>>
    %dma_start3A_150 = arith.constant 384 : i32
    %dma_start3A_151 = tpu.memref_slice %arg13[%dma_start3A_150] : memref<512xi32, #tpu.memory_space<vmem>> -> memref<128xi32, #tpu.memory_space<vmem>>
    %dma_start3A_152 = arith.constant 0 : i32
    %dma_start3A_153 = arith.constant 0 : i32
    %dma_start3A_154 = tpu.memref_slice %arg2[%dma_start3A_152, %dma_start3A_153] : memref<458752x128xf32, #tpu.memory_space<hbm>> -> memref<458752x128xf32, #tpu.memory_space<hbm>>
    tpu.enqueue_indirect_dma source(%dma_start3A_154 : memref<458752x128xf32, #tpu.memory_space<hbm>>) target(%dma_start3A_149 : memref<128x128xf32, #tpu.memory_space<vmem>>) offsets(%dma_start3A_151 : memref<128xi32, #tpu.memory_space<vmem>>) semaphore(%arg18 : memref<!tpu.dma_semaphore, #tpu.memory_space<semaphore_mem>>)
    %dma_wait3A_155 = arith.constant 0 : i32
    %dma_wait3A_156 = arith.constant 0 : i32
    %dma_wait3A_157 = arith.constant 0 : i32
    %dma_wait3A_158 = tpu.memref_slice %arg16[%dma_wait3A_155, %dma_wait3A_156, %dma_wait3A_157] : memref<2x128x128xf32, #tpu.memory_space<vmem>> -> memref<1x128x128xf32, #tpu.memory_space<vmem>>
    %dma_wait3A_159 = tpu.memref_squeeze %dma_wait3A_158 : memref<1x128x128xf32, #tpu.memory_space<vmem>> -> memref<128x128xf32, #tpu.memory_space<vmem>>
    %dma_wait3A_160 = arith.constant 384 : i32
    %dma_wait3A_161 = tpu.memref_slice %arg13[%dma_wait3A_160] : memref<512xi32, #tpu.memory_space<vmem>> -> memref<128xi32, #tpu.memory_space<vmem>>
    %dma_wait3A_162 = arith.constant 0 : i32
    %dma_wait3A_163 = arith.constant 0 : i32
    %dma_wait3A_164 = tpu.memref_slice %arg2[%dma_wait3A_162, %dma_wait3A_163] : memref<458752x128xf32, #tpu.memory_space<hbm>> -> memref<458752x128xf32, #tpu.memory_space<hbm>>
    tpu.wait_indirect_dma semaphore(%arg18 : memref<!tpu.dma_semaphore, #tpu.memory_space<semaphore_mem>>) src(%dma_wait3A_164 : memref<458752x128xf32, #tpu.memory_space<hbm>>) dst(%dma_wait3A_159 : memref<128x128xf32, #tpu.memory_space<vmem>>)
    %add3A_165 = arith.constant 384 : i32
    %add3A_166 = arith.addi %mul3A_2, %add3A_165 : i32
    %run_scoped3A_167 = arith.constant 0 : i32
    "tpu.region"() ({
      %run_scoped3A_168 = tpu.sem_alloc : memref<!tpu.dma_semaphore, #tpu.memory_space<semaphore_mem>>
      %dma_start3A_169 = arith.constant 0 : i32
      %dma_start3A_170 = arith.constant 0 : i32
      %dma_start3A_171 = tpu.memref_slice %arg16[%run_scoped3A_167, %dma_start3A_169, %dma_start3A_170] : memref<2x128x128xf32, #tpu.memory_space<vmem>> -> memref<1x128x128xf32, #tpu.memory_space<vmem>>
      %dma_start3A_172 = tpu.memref_squeeze %dma_start3A_171 : memref<1x128x128xf32, #tpu.memory_space<vmem>> -> memref<128x128xf32, #tpu.memory_space<vmem>>
      %dma_start3A_173 = arith.constant 0 : i32
      %dma_start3A_174 = tpu.memref_slice %arg8[%add3A_166, %dma_start3A_173] : memref<16384x128xf32, #tpu.memory_space<hbm>> -> memref<128x128xf32, #tpu.memory_space<hbm>>
      %dma_start3A_175 = arith.constant 0 : i32
      %dma_start3A_176 = tpu.memref_slice %arg8[%add3A_166, %dma_start3A_175] : memref<16384x128xf32, #tpu.memory_space<hbm>> -> memref<128x128xf32, #tpu.memory_space<hbm>>
      %dma_start3A_177 = arith.constant 0 : i32
      %dma_start3A_178 = arith.constant 0 : i32
      %dma_start3A_179 = tpu.memref_slice %arg16[%run_scoped3A_167, %dma_start3A_177, %dma_start3A_178] : memref<2x128x128xf32, #tpu.memory_space<vmem>> -> memref<1x128x128xf32, #tpu.memory_space<vmem>>
      %dma_start3A_180 = tpu.memref_squeeze %dma_start3A_179 : memref<1x128x128xf32, #tpu.memory_space<vmem>> -> memref<128x128xf32, #tpu.memory_space<vmem>>
      tpu.enqueue_dma source(%dma_start3A_180 : memref<128x128xf32, #tpu.memory_space<vmem>>) target(%dma_start3A_176 : memref<128x128xf32, #tpu.memory_space<hbm>>) target_semaphore(%run_scoped3A_168 : memref<!tpu.dma_semaphore, #tpu.memory_space<semaphore_mem>>)
      %dma_wait3A_181 = arith.constant 0 : i32
      %dma_wait3A_182 = arith.constant 0 : i32
      %dma_wait3A_183 = tpu.memref_slice %arg16[%run_scoped3A_167, %dma_wait3A_181, %dma_wait3A_182] : memref<2x128x128xf32, #tpu.memory_space<vmem>> -> memref<1x128x128xf32, #tpu.memory_space<vmem>>
      %dma_wait3A_184 = tpu.memref_squeeze %dma_wait3A_183 : memref<1x128x128xf32, #tpu.memory_space<vmem>> -> memref<128x128xf32, #tpu.memory_space<vmem>>
      %dma_wait3A_185 = arith.constant 0 : i32
      %dma_wait3A_186 = tpu.memref_slice %arg8[%add3A_166, %dma_wait3A_185] : memref<16384x128xf32, #tpu.memory_space<hbm>> -> memref<128x128xf32, #tpu.memory_space<hbm>>
      %dma_wait3A_187 = arith.constant 0 : i32
      %dma_wait3A_188 = tpu.memref_slice %arg8[%add3A_166, %dma_wait3A_187] : memref<16384x128xf32, #tpu.memory_space<hbm>> -> memref<128x128xf32, #tpu.memory_space<hbm>>
      %dma_wait3A_189 = arith.constant 0 : i32
      %dma_wait3A_190 = arith.constant 0 : i32
      %dma_wait3A_191 = tpu.memref_slice %arg16[%run_scoped3A_167, %dma_wait3A_189, %dma_wait3A_190] : memref<2x128x128xf32, #tpu.memory_space<vmem>> -> memref<1x128x128xf32, #tpu.memory_space<vmem>>
      %dma_wait3A_192 = tpu.memref_squeeze %dma_wait3A_191 : memref<1x128x128xf32, #tpu.memory_space<vmem>> -> memref<128x128xf32, #tpu.memory_space<vmem>>
      tpu.wait_dma2 semaphore(%run_scoped3A_168 : memref<!tpu.dma_semaphore, #tpu.memory_space<semaphore_mem>>) src(%dma_wait3A_192 : memref<128x128xf32, #tpu.memory_space<vmem>>) dst(%dma_wait3A_188 : memref<128x128xf32, #tpu.memory_space<hbm>>)
      tpu.yield
    }) : () -> ()
    return
  }
}

module attributes {stable_mosaic.version = 14 : i64} {
  func.func @_am_body(%arg0: i32, %arg1: memref<2048x128xf32, #tpu.memory_space<vmem>>, %arg2: memref<2048x28xi32, #tpu.memory_space<vmem>>, %arg3: memref<2048x1xi32, #tpu.memory_space<vmem>>, %arg4: memref<20x128xf32, #tpu.memory_space<vmem>>, %arg5: memref<1x20xf32, #tpu.memory_space<vmem>>, %arg6: memref<2048x20xf32, #tpu.memory_space<vmem>>) attributes {dimension_semantics = [#tpu.dimension_semantics<arbitrary>], iteration_bounds = array<i64: 8>, scalar_prefetch = 0 : i64, scratch_operands = 0 : i64, tpu.core_type = #tpu.core_type<tc>, window_params = [{transform_indices = @transform_0, window_bounds = array<i64: 2048, 128>}, {transform_indices = @transform_1, window_bounds = array<i64: 2048, 28>}, {transform_indices = @transform_2, window_bounds = array<i64: 2048, 1>}, {pipeline_mode = #tpu.pipeline_mode<synchronous>, transform_indices = @transform_3, window_bounds = array<i64: 20, 128>}, {pipeline_mode = #tpu.pipeline_mode<synchronous>, transform_indices = @transform_4, window_bounds = array<i64: 1, 20>}, {transform_indices = @transform_5, window_bounds = array<i64: 2048, 20>}]} {
    %get3A = arith.constant 0 : index
    %get3A_0 = arith.constant 0 : index
    %get3A_1 = vector.load %arg1[%get3A, %get3A_0] : memref<2048x128xf32, #tpu.memory_space<vmem>>, vector<2048x128xf32>
    %get3A_2 = arith.constant 0 : index
    %get3A_3 = arith.constant 0 : index
    %get3A_4 = vector.load %arg4[%get3A_2, %get3A_3] : memref<20x128xf32, #tpu.memory_space<vmem>>, vector<20x128xf32>
    %dot_general3A = arith.constant dense<0.000000e+00> : vector<2048x20xf32>
    %dot_general3A_5 = tpu.matmul %get3A_1, %get3A_4, %dot_general3A {dimension_numbers = #tpu.dot_dimension_numbers<[1], [1], [0], [0], [0, 0, 1, 0], [], []>, transpose_lhs_hint = false} : vector<2048x128xf32>, vector<20x128xf32>, vector<2048x20xf32> -> vector<2048x20xf32>
    %get3A_6 = arith.constant 0 : index
    %get3A_7 = arith.constant 0 : index
    %get3A_8 = vector.load %arg5[%get3A_6, %get3A_7] : memref<1x20xf32, #tpu.memory_space<vmem>>, vector<1x20xf32>
    %add3A = vector.broadcast %get3A_8 : vector<1x20xf32> to vector<2048x20xf32>
    %add3A_9 = arith.addf %dot_general3A_5, %add3A : vector<2048x20xf32>
    %get3A_10 = arith.constant 0 : index
    %get3A_11 = arith.constant 0 : index
    %get3A_12 = vector.load %arg3[%get3A_10, %get3A_11] : memref<2048x1xi32, #tpu.memory_space<vmem>>, vector<2048x1xi32>
    %get3A_13 = arith.constant 0 : index
    %get3A_14 = arith.constant 0 : index
    %get3A_15 = vector.load %arg2[%get3A_13, %get3A_14] : memref<2048x28xi32, #tpu.memory_space<vmem>>, vector<2048x28xi32>
    %iota3A = tpu.iota {dimensions = array<i32: 1>} : vector<2048x28xi32>
    %eq3A = vector.broadcast %get3A_12 : vector<2048x1xi32> to vector<2048x28xi32>
    %eq3A_16 = arith.cmpi eq, %iota3A, %eq3A : vector<2048x28xi32>
    %jit3A = arith.constant 0 : i32
    %broadcast_in_dim3A = vector.broadcast %jit3A : i32 to vector<2048x28xi32>
    %select_n3A = arith.select %eq3A_16, %get3A_15, %broadcast_in_dim3A : vector<2048x28xi1>, vector<2048x28xi32>
    %reduce_sum3A = arith.constant dense<0> : vector<2048xi32>
    %reduce_sum3A_17 = vector.multi_reduction <add>, %select_n3A, %reduce_sum3A [1] : vector<2048x28xi32> to vector<2048xi32>
    %broadcast_in_dim3A_18 = vector.shape_cast %reduce_sum3A_17 : vector<2048xi32> to vector<2048x1xi32>
    %eq3A_19 = arith.constant 0 : i32
    %eq3A_20 = vector.broadcast %eq3A_19 : i32 to vector<2048x1xi32>
    %eq3A_21 = arith.cmpi eq, %broadcast_in_dim3A_18, %eq3A_20 : vector<2048x1xi32>
    %sub3A = arith.constant 1 : i32
    %sub3A_22 = vector.broadcast %sub3A : i32 to vector<2048x1xi32>
    %sub3A_23 = arith.subi %broadcast_in_dim3A_18, %sub3A_22 : vector<2048x1xi32>
    %jit3A_24 = arith.constant 19 : i32
    %broadcast_in_dim3A_25 = vector.broadcast %jit3A_24 : i32 to vector<2048x1xi32>
    %select_n3A_26 = arith.select %eq3A_21, %broadcast_in_dim3A_25, %sub3A_23 : vector<2048x1xi1>, vector<2048x1xi32>
    %iota3A_27 = tpu.iota {dimensions = array<i32: 1>} : vector<2048x20xi32>
    %eq3A_28 = vector.broadcast %select_n3A_26 : vector<2048x1xi32> to vector<2048x20xi32>
    %eq3A_29 = arith.cmpi eq, %iota3A_27, %eq3A_28 : vector<2048x20xi32>
    %jit3A_30 = arith.constant -1.000000e+05 : f32
    %broadcast_in_dim3A_31 = vector.broadcast %jit3A_30 : f32 to vector<2048x20xf32>
    %select_n3A_32 = arith.select %eq3A_29, %broadcast_in_dim3A_31, %add3A_9 : vector<2048x20xi1>, vector<2048x20xf32>
    %swap3A = arith.constant 0 : index
    %swap3A_33 = arith.constant 0 : index
    %swap3A_34 = vector.load %arg6[%swap3A, %swap3A_33] : memref<2048x20xf32, #tpu.memory_space<vmem>>, vector<2048x20xf32>
    tpu.vector_store %arg6[%swap3A, %swap3A_33], %select_n3A_32 {strides = array<i32>} : memref<2048x20xf32, #tpu.memory_space<vmem>>, vector<2048x20xf32>,
    return
  }
  func.func @transform_0(%arg0: i32) -> (i32, i32) {
    %c0_i32 = arith.constant 0 : i32
    %c0_i32_0 = arith.constant 0 : i32
    return %arg0, %c0_i32 : i32, i32
  }
  func.func @transform_1(%arg0: i32) -> (i32, i32) {
    %c0_i32 = arith.constant 0 : i32
    %c0_i32_0 = arith.constant 0 : i32
    return %arg0, %c0_i32 : i32, i32
  }
  func.func @transform_2(%arg0: i32) -> (i32, i32) {
    %c0_i32 = arith.constant 0 : i32
    %c0_i32_0 = arith.constant 0 : i32
    return %arg0, %c0_i32 : i32, i32
  }
  func.func @transform_3(%arg0: i32) -> (i32, i32) {
    %c0_i32 = arith.constant 0 : i32
    %c0_i32_0 = arith.constant 0 : i32
    %c0_i32_1 = arith.constant 0 : i32
    return %c0_i32, %c0_i32_0 : i32, i32
  }
  func.func @transform_4(%arg0: i32) -> (i32, i32) {
    %c0_i32 = arith.constant 0 : i32
    %c0_i32_0 = arith.constant 0 : i32
    %c0_i32_1 = arith.constant 0 : i32
    return %c0_i32, %c0_i32_0 : i32, i32
  }
  func.func @transform_5(%arg0: i32) -> (i32, i32) {
    %c0_i32 = arith.constant 0 : i32
    %c0_i32_0 = arith.constant 0 : i32
    return %arg0, %c0_i32 : i32, i32
  }
}

</mosaic_0001>

<sc_bundles>
// kernel: kernel.4.cloned.1.call-start
scs
__scs_entry_jumppad:
0x0: {  	(pc) =	sbr.rel $0x88, $3  }
0x1: {  	(tag) =	ssettag $0x0;
	lr =	simm.s32 $0x1  }
0x2: {  	[smem:$0x3F99] =	sst lr;
	_ =	strace $0xD0000000  }
0x3: {  	_ = 	snop  }
0x4: {  	_ = 	snop  }
0x5: {  	_ = 	snop  }
0x6: {  	_ = 	snop  }
0x7: {  	_ = 	snop  }
__scs_overlays_trampoline_lowered:
0x8: {  	[smem:$0x3FA8] =	sst s0  }
0x9: {  	[smem:$0x3FA9] =	sst s1  }
0xa: {  	[smem:$0x3FAA] =	sst s2  }
0xb: {  	[smem:$0x3FAB] =	sst s3  }
0xc: {  	[smem:$0x3FAC] =	sst s4  }
0xd: {  	[smem:$0x3FAD] =	sst s5  }
0xe: {  	[smem:$0x3FAE] =	sst s6  }
0xf: {  	[smem:$0x3FAF] =	sst s7  }
0x10: {  	[smem:$0x3FB0] =	sst s8  }
0x11: {  	[smem:$0x3FB1] =	sst s9;
	s0 =	simm.s32 @!p0 $0x0  }
0x12: {  	s1 =	sld [smem:$0x3F97];
	s0 =	simm.s32 @p0 $0x1  }
0x13: {  	[smem:$0x3FB2] =	sst s0;
	s0 =	simm.s32 @!p1 $0x0  }
0x14: {  	s2 =	sld [smem:$0x3F96];
	s0 =	simm.s32 @p1 $0x1  }
0x15: {  	[smem:$0x3FB3] =	sst s0;
	s0 =	simm.s32 @!p2 $0x0  }
0x16: {  	s3 =	sld [smem:$0x3FDB];
	s0 =	simm.s32 @p2 $0x1  }
0x17: {  	s4 =	simm.s32 $0x1BF5;
	[smem:$0x3FB5] =	sst s0  }
0x18: {  	s0 =	sld [smem:$0x3F98];
	_ =	swait.ge [sflag:s4], $0x0  }
0x19: {  	s7 =	sld [smem:$0x3F99]  }
0x1a: {  	s8 =	sadd.s32 $0xFFFFE003, lr  }
0x1b: {  	s9 =	sadd.s32 $0xFFFFFEF7, lr;
	s5 =	simm.s32 $0xFFFFFFFF;
	p2 =	slt.u32 s8, $0xFFFFF086  }
0x1c: {  	p1 =	slt.u32 s9, $0xF7A;
	s5 =	simm.s32 @!p2 $0x0  }
0x1d: {  	s5 =	simm.s32 @p1 $0x1;
	p0 =	seq.s32 s7, s2  }
0x1e: {  	s7 =	smul.u32 @!p0 $0xF7A, s2;
	p2 =	seq.s32 @!p0 s5, $0x0  }
0x1f: {  	s9 =	smul.u32 $0xF7A, s1;
	s8 =	simm.s32 @!p0 $0x1BF5;
	p2 =	por !p2, p0  }
0x20: {  	[sflag:s8] =	ssyncset.s32 @!p0 $0xFFFFF086;
	s6 =	sadd.s32 @!p0 s3, s7;
	s7 =	simm.s32 @!p0 $0x108  }
0x21: {  	s3 =	sadd.s32 s3, s9;
	s6 =	sadd.s32 @!p0 $0x88, s6;
	s7 =	simm.s32 @p2 $0x1082  }
0x22: {  	[simem:s7], [sflag:s8] =	dma.local @!p0 [hbm:s6], $0xF7A  }
0x23: {  	s9 =	sor.u32 $0xD0000000, s2;
	s6 =	simm.s32 $0x108;
	_ =	swait.ge @!p0 [sflag:s8], $0x0  }
0x24: {  	s3 =	sadd.s32 $0x88, s3;
	s6 =	simm.s32 @!p1 $0x1082;
	[sflag:s4] =	ssyncset.s32 $0xFFFFF086  }
0x25: {  	[simem:s6], [sflag:s4] =	dma.local [hbm:s3], $0xF7A  }
0x26: {  	[smem:$0x3F99] =	sst s1;
	(tag) =	ssettag s2;
	_ =	strace s9  }
0x27: {  	s1 =	sld [smem:$0x3FA9]  }
0x28: {  	s2 =	sld [smem:$0x3FAA]  }
0x29: {  	s4 =	sld [smem:$0x3FAC]  }
0x2a: {  	p0 =	seq.s32 s5, $0x0;
	s5 =	sld [smem:$0x3FAD]  }
0x2b: {  	s6 =	sld [smem:$0x3FAE]  }
0x2c: {  	s7 =	sld [smem:$0x3FAF]  }
0x2d: {  	s3 =	simm.s32 $0x108;
	s8 =	sld [smem:$0x3FB0]  }
0x2e: {  	s3 =	simm.s32 @!p0 $0x1082;
	s9 =	sld [smem:$0x3FB1]  }
0x2f: {  	lr =	sadd.s32 s0, s3;
	s0 =	sld [smem:$0x3FA8]  }
0x30: {  	s3 =	sld [smem:$0x3FAB]  }
0x31: {  	[smem:$0x3FB4] =	sst s10  }
0x32: {  	s10 =	sld [smem:$0x3FB2];
	_ =	sdelay $0x3  }
0x33: {  	p0 =	seq.s32 s10, $0x1;
	s10 =	sld [smem:$0x3FB4];
	_ =	sdelay $0x3  }
0x34: {  	[smem:$0x3FB4] =	sst s10  }
0x35: {  	s10 =	sld [smem:$0x3FB3];
	_ =	sdelay $0x3  }
0x36: {  	p1 =	seq.s32 s10, $0x1;
	s10 =	sld [smem:$0x3FB4];
	_ =	sdelay $0x3  }
0x37: {  	[smem:$0x3FB4] =	sst s10  }
0x38: {  	s10 =	sld [smem:$0x3FB5]  }
0x39: {  	_ = 	snop;
	(pc) =	sbr.ind lr, $3  }
0x3a: {  	_ = 	snop  }
0x3b: {  	_ = 	snop  }
0x3c: {  	p2 =	seq.s32 s10, $0x1;
	s10 =	sld [smem:$0x3FB4]  }
0x3d: {  	_ =	shalt  }
0x3e: {  	_ =	shalt  }
0x3f: {  	_ =	shalt  }
0x40: {  	_ =	shalt  }
0x41: {  	_ =	shalt  }
0x42: {  	_ =	shalt  }
0x43: {  	_ =	shalt  }
0x44: {  	_ =	shalt  }
0x45: {  	_ =	shalt  }
0x46: {  	_ =	shalt  }
0x47: {  	_ =	shalt  }
0x48: {  	_ =	shalt  }
0x49: {  	_ =	shalt  }
0x4a: {  	_ =	shalt  }
0x4b: {  	_ =	shalt  }
0x4c: {  	_ =	shalt  }
0x4d: {  	_ =	shalt  }
0x4e: {  	_ =	shalt  }
0x4f: {  	_ =	shalt  }
0x50: {  	_ =	shalt  }
0x51: {  	_ =	shalt  }
0x52: {  	_ =	shalt  }
0x53: {  	_ =	shalt  }
0x54: {  	_ =	shalt  }
0x55: {  	_ =	shalt  }
0x56: {  	_ =	shalt  }
0x57: {  	_ =	shalt  }
0x58: {  	_ =	shalt  }
0x59: {  	_ =	shalt  }
0x5a: {  	_ =	shalt  }
0x5b: {  	_ =	shalt  }
0x5c: {  	_ =	shalt  }
0x5d: {  	_ =	shalt  }
0x5e: {  	_ =	shalt  }
0x5f: {  	_ =	shalt  }
0x60: {  	_ =	shalt  }
0x61: {  	_ =	shalt  }
0x62: {  	_ =	shalt  }
0x63: {  	_ =	shalt  }
0x64: {  	_ =	shalt  }
0x65: {  	_ =	shalt  }
0x66: {  	_ =	shalt  }
0x67: {  	_ =	shalt  }
0x68: {  	_ =	shalt  }
0x69: {  	_ =	shalt  }
0x6a: {  	_ =	shalt  }
0x6b: {  	_ =	shalt  }
0x6c: {  	_ =	shalt  }
0x6d: {  	_ =	shalt  }
0x6e: {  	_ =	shalt  }
0x6f: {  	_ =	shalt  }
0x70: {  	_ =	shalt  }
0x71: {  	_ =	shalt  }
0x72: {  	_ =	shalt  }
0x73: {  	_ =	shalt  }
0x74: {  	_ =	shalt  }
0x75: {  	_ =	shalt  }
0x76: {  	_ =	shalt  }
0x77: {  	_ =	shalt  }
0x78: {  	_ =	shalt  }
0x79: {  	_ =	shalt  }
0x7a: {  	_ =	shalt  }
0x7b: {  	_ =	shalt  }
0x7c: {  	_ =	shalt  }
0x7d: {  	_ =	shalt  }
0x7e: {  	_ =	shalt  }
0x7f: {  	_ =	shalt  }
0x80: {  	_ =	shalt  }
0x81: {  	_ =	shalt  }
0x82: {  	_ =	shalt  }
0x83: {  	_ =	shalt  }
0x84: {  	_ =	shalt  }
0x85: {  	_ =	shalt  }
0x86: {  	_ =	shalt  }
0x87: {  	_ =	shalt  }
.Lfunc_end0:
.L_simem_size_0:
called_computation_lowered:
.L_overlay_start_0:
0x88: {  	s2 =	sld [smem:$0x3FD9]  }
0x89: {  	s3 =	sld [smem:$0x3FFE];
	_ =	sdelay $0x1  }
0x8a: {  	s1 =	srdreg.scid  }
0x8b: {  	s0 =	sand.u32 $0x1, s1  }
0x8c: {  	s14 =	sshll.u32 s0, $0xA;
	s2 =	sadd.s32 s3, s2  }
0x8d: {  	s2 =	sadd.s32 s2, s14  }
0x8e: {  	[smem:$0x3FC0] =	sst s2  }
0x8f: {  	_ = 	snop  }
0x90: {  	s2 =	sld [smem:$0x3FD0]  }
0x91: {  	s15 =	sld [smem:$0x3FC9]  }
0x92: {  	s4 =	sld [smem:$0x3FC7]  }
0x93: {  	s6 =	simm.s32 $0xA;
	s7 =	simm.s32 $0x10;
	s5 =	sld [smem:$0x3FC5]  }
0x94: {  	[smem:s7], [sflag:s6] =	dma.local [hbm:s2], $0x1  }
0x95: {  	_ =	swait.eq [sflag:s6], $0x1  }
0x96: {  	[sflag:s6] =	ssyncset.done $0x0  }
0x97: {  	s16 =	sld [smem:$0x10];
	[sflag:s6] =	ssyncadd.s32 $0xFFFFFFFF  }
0x98: {  	s17 =	sld [smem:$0x11];
	(tm) =	ssettm $0x1  }
0x99: {  	s18 =	sld [smem:$0x3FFB];
	_ =	sdelay $0x3  }
0x9a: {  	_ =	strace s18  }
0x9b: {  	s7 =	sld [smem:$0x3FFC];
	_ =	sdelay $0x3  }
0x9c: {  	_ =	strace s7  }
0x9d: {  	s7 =	sld [smem:$0x3FFD];
	_ =	sdelay $0x3  }
0x9e: {  	_ =	strace s7  }
0x9f: {  	_ =	strace $0x8FFFFFFF  }
0xa0: {  	s19 =	sld [smem:$0x3FDB];
	_ =	sdelay $0x1  }
0xa1: {  	s8 =	simm.s32 $_scs_section_size  }
0xa2: {  	s9 =	simm.s32 $_size__tile_overlayer_lowered;
	s10 =	simm.s32 $_tile_overlayer_lowered  }
0xa3: {  	s22 =	simm.s32 $0x1BFF;
	s21 =	sshll.u32 s10, $0x1;
	s7 =	sadd.s32 s8, s19  }
0xa4: {  	s11 =	simm.s32 $0x0;
	s20 =	sshll.u32 s9, $0x1;
	s9 =	sadd.s32 s21, s7  }
0xa5: {  	[timem:s11], [sflag:s22] =	dma.local [hbm:s9], s20  }
0xa6: {  	_ =	swait.ge [sflag:s22], s20  }
0xa7: {  	s8 =	ssub.s32 $0x0, s20;
	[sflag:s22] =	ssyncset.done $0x0  }
0xa8: {  	[sflag:s22] =	ssyncadd.s32 s8;
	_ =	sdelay $0x1  }
0xa9: {  	s23 =	simm.s32 $0x1B8B  }
0xaa: {  	_ =	swait.ge [sflag:s23], $0x1  }
0xab: {  	[sflag:s23] =	ssyncset.done $0x0  }
0xac: {  	s25 =	simm.s32 $0x1B8E;
	s24 =	sld [smem:$0x3FFE];
	[sflag:s23] =	ssyncadd.s32 $0xFFFFFFFF  }
0xad: {  	s26 =	simm.s32 $execute0_lowered;
	[smem:$0x3FD2] =	sst s25  }
0xae: {  	s9 =	sshll.u32 s26, $0x1;
	_ =	strace $0x80000046;
	[dreg:$0x1] =	wrdreg $0xFFFFFFFF  }
0xaf: {  	s28 =	simm.s32 $_size_execute0_lowered;
	s7 =	sadd.s32 s7, s9;
	[dreg:$0x0] =	wrdreg $0x0  }
0xb0: {  	s9 =	sshll.u32 s28, $0x1;
	[dreg:$0x2] =	wrdreg s7  }
0xb1: {  	[dreg:$0x3] =	wrdreg s9  }
0xb2: {  	[dreg:$0x4] =	wrdreg $0xC0  }
0xb3: {  	_ =	task [dreg:s11], $0x5FFFF  }
0xb4: {  	[dreg:$0x1] =	wrdreg $0xFFFFFFFF  }
0xb5: {  	[dreg:$0x0] =	wrdreg $0x60  }
0xb6: {  	[dreg:$0x2] =	wrdreg s15  }
0xb7: {  	[dreg:$0x3] =	wrdreg s4  }
0xb8: {  	[dreg:$0x4] =	wrdreg s17  }
0xb9: {  	[dreg:$0x5] =	wrdreg s5  }
0xba: {  	[dreg:$0x6] =	wrdreg s24  }
0xbb: {  	[dreg:$0x7] =	wrdreg s16  }
0xbc: {  	[dreg:$0x8] =	wrdreg $0x9  }
0xbd: {  	_ =	task.clear_ibuf [dreg:s11], $0x9FFFF;
	_ =	strace $0x90000046  }
0xbe: {  	s29 =	simm.s32 $0x9;
	_ =	strace $0x80000048  }
0xbf: {  	_ =	swait.ge [sflag:s29], $0x1  }
0xc0: {  	[sflag:s29] =	ssyncadd.s32 $0xFFFFFFFF  }
0xc1: {  	_ =	strace $0x90000048  }
0xc2: {  	_ =	sfence  }
0xc3: {  	s30 =	sld [smem:$0x0];
	_ =	sdelay $0x2  }
0xc4: {  	s31 =	sshll.u32 s1, $0xD;
	s1 =	sshrl.u32 s1, $0x2  }
0xc5: {  	s3 =	sand.u32 $0x4000, s31;
	s1 =	sadd.s32 s1, s30  }
0xc6: {  	s0 =	sor.u32 s3, s0;
	s1 =	sshll.u32 s1, $0x11  }
0xc7: {  	s0 =	sor.u32 s1, s0  }
0xc8: {  	s0 =	sadd.s32 $0x8F2B, s0  }
0xc9: {  	[sflag:s0] =	ssyncadd.remote.s32 $0x1  }
0xca: {  	_ =	sfence.sel $0xFFFF  }
0xcb: {  	[dreg:$0x0] =	wrdreg $0xFFFFFFFF;
	(pc) =	sbr.abs _section_cstart, $3  }
0xcc: {  	[dreg:$0x1] =	wrdreg $0xFFFFFFFF  }
0xcd: {  	_ =	task.clear_ibuf [dreg:s11], $0x2FFFF;
	_ =	strace $0x9FFFFFFF  }
0xce: {  	(tm) =	ssettm $0x7FFFFFFF  }
0xcf: {  	_ =	shalt  }
tec
execute0_lowered:
.L_overlay_start_1:
0x0: {  	(tag) =	ssettag $0x1  }
0x1: {  	s1 =	rddreg [dreg:$0x0]  }
0x2: {  	s0 =	rddreg [dreg:$0x1]  }
0x3: {  	s2 =	rddreg [dreg:$0x2]  }
0x4: {  	s3 =	rddreg [dreg:$0x4]  }
0x5: {  	s9 =	rddreg [dreg:$0x5]  }
0x6: {  	s5 =	srdreg.scid;
	s15 =	stileid.u32  }
0x7: {  	s4 =	simm.s32 $0x0;
	s16 =	simm.s32 $0x3;
	s20 =	simm.s32 $0x1  }
0x8: {  	s21 =	simm.s32 $0x80;
	s31 =	simm.s32 $0x0;
	s13 =	sand.u32 $0x1, s5  }
0x9: {  	s23 =	sshll.u32 s15, $0x1;
	[smem:$0x7FF] =	sst s4;
	s24 =	sadd.s32 $0x1400, s3  }
0xa: {  	s29 =	sshll.u32 s15, $0xA;
	s6 =	sor.u32 s13, s23;
	_ =	strace $0x80000047  }
0xb: {  	s8 =	ssub.s32 $0x2, s13;
	[dreg:$0x7] =	wrdreg s24;
	s30 =	sshll.u32 s13, $0x9  }
0xc: {  	s23 =	simm.s32 $0x4080;
	s24 =	simm.s32 $0x2;
	s7 =	sshll.u32 s6, $0xD  }
0xd: {  	s25 =	sshrl.u32 s8, $0x1;
	s26 =	sshll.u32 s6, $0x6;
	s10 =	smul.u32 $0x700, s6  }
0xe: {  	s6 =	sshll.u32 s6, $0x9;
	s15 =	sor.u32 s30, s29;
	s0 =	sadd.s32 s0, s26  }
0xf: {  	v0 =	vlaneseq.u32;
	s3 =	sadd.s32 s7, s3;
	s28 =	sadd.s32 s2, s26;
	[dreg:$0x8] =	wrdreg s0  }
0x10: {  	v1 =	vmul.u32 $0x4000, v0;
	s14 =	ssub.s32 s8, s25;
	s25 =	simm.s32 $0xC080;
	[dreg:$0x9] =	wrdreg s28  }
0x11: {  	s9 =	sadd.s32 s9, s10;
	s10 =	sadd.s32 $0x1600, s3;
	s11 =	sadd.s32 $0x1E00, s3  }
0x12: {  	v3 =	vimm.f32 $-1.000000000e+05;
	v4 =	vor.u32 $0x40000, v1;
	v2 =	vmov s6;
	s12 =	sadd.s32 $0x2600, s3;
	s13 =	sadd.s32 $0x2E00, s3;
	s14 =	smax.u32 s14, $0x1  }
.LBB2_1:
0x13: {  	s0 =	rddreg [dreg:$0x8]  }
0x14: {  	[tilespmem:s4], [sflag:$0x3] =	stream.linear.gather [hbm4b:s0+s4], $0x200, $0x38;
	[tilespmem:$0xF880] =	vst v63  }
0x15: {  	_ =	swait.ge [sflag:s16], $0x200  }
0x16: {  	[sflag:s16] =	ssyncset.done $0x0  }
0x17: {  	s2 =	simm.s32 $0x280;
	s22 =	rddreg [dreg:$0x9];
	[sflag:s16] =	ssyncadd.s32 $0xFFFFFE00  }
0x18: {  	[tilespmem:s2], [sflag:$0x3] =	stream.linear.gather [hbm4b:s22+s4], $0x200, $0x38;
	[tilespmem:$0xF880] =	vst v63  }
0x19: {  	_ =	swait.ge [sflag:s16], $0x200  }
0x1a: {  	[sflag:s16] =	ssyncset.done $0x0  }
0x1b: {  	[sflag:s16] =	ssyncadd.s32 $0xFFFFFE00  }
0x1c: {  	s28 =	simm.s32 $0x3F80;
	s26 =	rddreg [dreg:$0x3]  }
0x1d: {  	[tilespmem:s28], [sflag:$0x3] =	stream.linear.gather [hbm4b:s26+s4], $0x80, $0x38;
	[tilespmem:$0xF880] =	vst v63  }
0x1e: {  	_ =	swait.ge [sflag:s16], $0x80  }
0x1f: {  	[sflag:s16] =	ssyncset.done $0x0  }
0x20: {  	s30 =	simm.s32 $0x4000;
	s29 =	rddreg [dreg:$0x7];
	[sflag:s16] =	ssyncadd.s32 $0xFFFFFF80  }
0x21: {  	[tilespmem:s30], [sflag:$0x3] =	stream.linear.gather [hbm4b:s29+s4], $0x80, $0x38;
	[tilespmem:$0xF880] =	vst v63  }
0x22: {  	_ =	swait.ge [sflag:s16], $0x80  }
0x23: {  	[sflag:s16] =	ssyncset.done $0x0  }
0x24: {  	s0 =	simm.s32 $0xC0C0;
	[sflag:s16] =	ssyncadd.s32 $0xFFFFFF80  }
0x25: {  	[tilespmem:s0+$0xFFFFFFC0] =	vst v3  }
0x26: {  	[tilespmem:s0+$0x30] =	vst v3  }
0x27: {  	[tilespmem:s0+$0x20] =	vst v3  }
0x28: {  	[tilespmem:s0+$0x10] =	vst v3  }
0x29: {  	[tilespmem:s0+$0x0] =	vst v3  }
0x2a: {  	[tilespmem:s0+$0xFFFFFFF0] =	vst v3  }
0x2b: {  	s2 =	simm.s32 $0x0;
	[tilespmem:s0+$0xFFFFFFE0] =	vst v3  }
.LBB2_2:
0x2c: {  	s2 =	sadd.s32 $0x8, s2;
	[tilespmem:s0+$0xFFFFFFD0] =	vst v3;
	s0 =	sadd.s32 $0x80, s0  }
0x2d: {  	[tilespmem:s0+$0xFFFFFFC0] =	vst v3;
	p0 =	slt.u32 s2, $0x378  }
0x2e: {  	[tilespmem:s0+$0x30] =	vst v3  }
.Ltmp0:
0x2f: {  	[tilespmem:s0+$0x20] =	vst v3;
	(pc) =	sbr.rel @p0 .LBB2_2-.Ltmp0, $4  }
0x30: {  	[tilespmem:s0+$0x10] =	vst v3  }
0x31: {  	[tilespmem:s0+$0x0] =	vst v3  }
0x32: {  	[tilespmem:s0+$0xFFFFFFF0] =	vst v3  }
0x33: {  	[tilespmem:s0+$0xFFFFFFE0] =	vst v3  }
0x34: {  	[tilespmem:s0+$0xFFFFFFD0] =	vst v3;
	s30 =	simm.s32 $0x0  }
0x35: {  	v5 =	vld [tilespmem:s30+$0x0];
	_ =	sdelay $0x4  }
0x36: {  	(v2sf) =	vpush v5, $0x0;
	_ =	sdelay $0x7  }
0x37: {  	s0 =	simm.s32 $0x0;
	v6 =	vor.u32 s15, v1  }
0x38: {  	[tilespmem:s0+$0x480] =	vst v6;
	v6 =	vor.u32 s15, v4  }
0x39: {  	s17 =	simm.s32 $0x1;
	s3 =	simm.s32 $0x8;
	s2 =	smov.u32 s15;
	[tilespmem:s0+$0x490] =	vst v6  }
.LBB2_4:
0x3a: {  	p0 =	sne.s32 s3, $0x7FC;
	v5 =	vld [tilespmem:s17+$0x0];
	_ =	sdelay $0x3  }
0x3b: {  	s2 =	sadd.s32 $0x1, s2;
	s17 =	spop (v2sf)  }
0x3c: {  	v6 =	vor.u32 s2, v1;
	(v2sf) =	vpush v5, $0x0;
	s0 =	sadd.s32 s0, s17  }
0x3d: {  	v5 =	vor.u32 s2, v4;
	[tilespmem:s0+$0x480] =	vst v6  }
0x3e: {  	[tilespmem:s0+$0x490] =	vst v5;
	_ =	sdelay $0x3  }
.Ltmp1:
0x3f: {  	(pc) =	sbr.rel @p0 .LBB2_4-.Ltmp1, $2  }
0x40: {  	_ =	sdelay $0x2  }
0x41: {  	s17 =	sshra.s32 s3, $0x2;
	s3 =	sadd.s32 $0x4, s3  }
0x42: {  	v5 =	vld [tilespmem:s17+$0x0];
	_ =	sdelay $0x4  }
0x43: {  	(v2sf) =	vpush v5, $0x0;
	_ =	sdelay $0xc  }
0x44: {  	s2 =	sadd.s32 $0x1, s2;
	s3 =	spop (v2sf)  }
0x45: {  	v5 =	vor.u32 s2, v1;
	s0 =	sadd.s32 s0, s3  }
0x46: {  	[tilespmem:s0+$0x480] =	vst v5;
	v5 =	vor.u32 s2, v4;
	s26 =	spop (v2sf)  }
0x47: {  	[tilespmem:s0+$0x490] =	vst v5;
	s0 =	sadd.s32 s0, s26  }
0x48: {  	[tilespmem:s0+$0x480] =	vst v2  }
0x49: {  	[tilespmem:s0+$0x490] =	vst v2  }
0x4a: {  	[tilespmem:s0+$0x4A0] =	vst v2  }
0x4b: {  	[tilespmem:s0+$0x4B0] =	vst v2  }
0x4c: {  	[tilespmem:s0+$0x4C0] =	vst v2  }
0x4d: {  	[tilespmem:s0+$0x4D0] =	vst v2  }
0x4e: {  	[tilespmem:s0+$0x4E0] =	vst v2  }
0x4f: {  	[tilespmem:s0+$0x4F0] =	vst v2  }
0x50: {  	v5 =	vld [tilespmem:$0x4000];
	_ =	sdelay $0x4  }
0x51: {  	(v2sf) =	vpush v5, $0x0;
	_ =	sdelay $0x2  }
0x52: {  	s0 =	sadd.s32 $0x7F, s0  }
0x53: {  	s28 =	sand.u32 $0x7F, s0  }
0x54: {  	s29 =	sshra.s32 s0, $0x1F;
	p0 =	slt.s32 s0, $0x1;
	p1 =	sne.s32 s28, $0x0  }
0x55: {  	s30 =	sshrl.u32 s29, $0x19;
	p0 =	por !p0, !p1  }
0x56: {  	s2 =	simm.s32 $0x1;
	s0 =	sadd.s32 s30, s0;
	p0 =	por !p0, !p0  }
0x57: {  	s0 =	sshra.s32 s0, $0x7;
	s2 =	simm.s32 @!p0 $0x0  }
0x58: {  	s0 =	ssub.s32 s0, s2  }
0x59: {  	p0 =	slt.s32 s0, $0x1  }
.Ltmp2:
0x5a: {  	_ = 	snop;
	(pc) =	sbr.rel @p0 .LBB2_15-.Ltmp2, $2  }
0x5b: {  	_ =	sdelay $0x2  }
0x5c: {  	s3 =	spop (v2sf)  }
0x5d: {  	v5 =	vld [tilespmem:$0x3F80]  }
0x5e: {  	v6 =	vld [tilespmem:$0x3F90]  }
0x5f: {  	v7 =	vld [tilespmem:$0x3FA0]  }
.Ltmp3:
0x60: {  	v12 =	vld [tilespmem:$0x3FF0];
	(pc) =	sbr.rel .LBB2_7-.Ltmp3, $4  }
0x61: {  	v8 =	vld [tilespmem:$0x3FB0]  }
0x62: {  	v9 =	vld [tilespmem:$0x3FC0]  }
0x63: {  	v10 =	vld [tilespmem:$0x3FD0];
	s2 =	simm.s32 $0x480;
	s22 =	simm.s32 $0x0  }
0x64: {  	v11 =	vld [tilespmem:$0x3FE0];
	[tilespmem:s23], [sflag:$0x1] =	stream.indirect.gather [hbm4b:s1+s21], $0x80, s2, s21, $0xb8  }
.LBB2_14:
0x65: {  	p0 =	sne.s32 s2, s0  }
.Ltmp4:
0x66: {  	_ = 	snop;
	(pc) =	sbr.rel @!p0 .LBB2_15-.Ltmp4, $2  }
0x67: {  	_ =	sdelay $0x2  }
0x68: {  	s22 =	smov.u32 s2  }
.LBB2_7:
0x69: {  	s17 =	sand.u32 $0x1, s22  }
0x6a: {  	p0 =	seq.s32 s17, $0x1  }
.Ltmp5:
0x6b: {  	_ = 	snop;
	(pc) =	sbr.rel @p0 .LBB2_11-.Ltmp5, $1  }
0x6c: {  	_ =	sdelay $0x3  }
0x6d: {  	s2 =	sor.u32 $0x1, s22  }
0x6e: {  	p0 =	sge.s32 s2, s0  }
0x6f: {  	s18 =	sshll.u32 @!p0 s2, $0x9  }
0x70: {  	s18 =	sshra.s32 @!p0 s18, $0x2  }
0x71: {  	s19 =	simm.s32 @!p0 $0x80;
	s26 =	simm.s32 @!p0 $0x8080;
	s18 =	sadd.s32 @!p0 $0x480, s18  }
0x72: {  	[tilespmem:s26], [sflag:$0x2] =	stream.indirect.gather @!p0 [hbm4b:s1+s19], $0x80, s18, s19, $0xb8;
	[tilespmem:$0xF880] =	vst v63  }
0x73: {  	_ =	swait.ge [sflag:s20], $0x4000  }
0x74: {  	[sflag:s20] =	ssyncset.done $0x0  }
0x75: {  	s29 =	simm.s32 $0x4180;
	[sflag:s20] =	ssyncadd.s32 $0xFFFFC000  }
0x76: {  	v13 =	vld [tilespmem:s29+$0x80]  }
0x77: {  	v14 =	vld [tilespmem:s29+$0x90]  }
0x78: {  	v15 =	vld [tilespmem:s29+$0xFFFFFF10]  }
0x79: {  	v16 =	vld [tilespmem:s29+$0xA0]  }
0x7a: {  	v17 =	vld [tilespmem:s29+$0xFFFFFF80]  }
0x7b: {  	v18 =	vld [tilespmem:s29+$0xB0]  }
0x7c: {  	v19 =	vld [tilespmem:s29+$0xFFFFFF90]  }
0x7d: {  	v20 =	vld [tilespmem:s29+$0xC0]  }
0x7e: {  	v21 =	vld [tilespmem:s29+$0x0]  }
0x7f: {  	v22 =	vld [tilespmem:s29+$0xD0]  }
0x80: {  	v23 =	vld [tilespmem:s29+$0x10]  }
0x81: {  	v24 =	vld [tilespmem:s29+$0xE0]  }
0x82: {  	v25 =	vld [tilespmem:s29+$0xFFFFFF00]  }
0x83: {  	v26 =	vld [tilespmem:s29+$0xF0]  }
0x84: {  	v27 =	vld [tilespmem:s29+$0xFFFFFF20]  }
0x85: {  	v28 =	vld [tilespmem:s29+$0x20];
	v13 =	vmul.f32 v13, v5;
	v14 =	vmul.f32 v14, v6  }
0x86: {  	v29 =	vld [tilespmem:s29+$0xFFFFFFB0]  }
0x87: {  	v30 =	vld [tilespmem:s29+$0xFFFFFF40];
	v13 =	vadd.f32 v14, v13;
	v14 =	vmul.f32 v16, v7  }
0x88: {  	v31 =	vld [tilespmem:s29+$0xFFFFFFC0]  }
0x89: {  	v58 =	vld [tilespmem:s29+$0xFFFFFF60];
	v13 =	vadd.f32 v14, v13;
	v14 =	vmul.f32 v18, v8  }
0x8a: {  	s19 =	simm.s32 $0x4380;
	v17 =	vmul.f32 v17, v5;
	v19 =	vmul.f32 v19, v6;
	v16 =	vld [tilespmem:s29+$0xFFFFFFA0]  }
0x8b: {  	v59 =	vld [tilespmem:s19+$0xFFFFFF40];
	v15 =	vmul.f32 v15, v6;
	v13 =	vadd.f32 v14, v13;
	v14 =	vmul.f32 v20, v9  }
0x8c: {  	v21 =	vmul.f32 v21, v5;
	v17 =	vadd.f32 v19, v17;
	v19 =	vmul.f32 v25, v5;
	v25 =	vld [tilespmem:s29+$0xFFFFFF50]  }
0x8d: {  	v23 =	vmul.f32 v23, v6;
	v18 =	vld [tilespmem:s29+$0xFFFFFF30];
	v13 =	vadd.f32 v14, v13;
	v14 =	vmul.f32 v22, v10  }
0x8e: {  	s30 =	sshll.u32 s22, $0x9;
	v26 =	vmul.f32 v26, v12;
	v15 =	vadd.f32 v15, v19;
	v19 =	vmul.f32 v27, v7;
	v27 =	vld [tilespmem:s29+$0x50]  }
0x8f: {  	s18 =	sshra.s32 s30, $0x2;
	v20 =	vld [tilespmem:s29+$0x30];
	v16 =	vmul.f32 v16, v7;
	v13 =	vadd.f32 v14, v13;
	v14 =	vmul.f32 v24, v11  }
0x90: {  	s18 =	sadd.s32 $0x482, s18;
	v21 =	vadd.f32 v23, v21;
	v23 =	vmul.f32 v28, v7;
	v15 =	vadd.f32 v19, v15;
	v19 =	vld [tilespmem:s29+$0xFFFFFFE0]  }
0x91: {  	v22 =	vld [tilespmem:s18+$0x1];
	v16 =	vadd.f32 v16, v17;
	v17 =	vmul.f32 v29, v8;
	v13 =	vadd.f32 v14, v13  }
0x92: {  	v21 =	vadd.f32 v23, v21;
	v14 =	vld [tilespmem:s29+$0xFFFFFFD0]  }
0x93: {  	v23 =	vld [tilespmem:s29+$0x60];
	v16 =	vadd.f32 v17, v16;
	v17 =	vmul.f32 v31, v9;
	v13 =	vadd.f32 v26, v13  }
0x94: {  	v18 =	vmul.f32 v18, v8;
	v24 =	vld [tilespmem:s29+$0x40]  }
0x95: {  	v16 =	vadd.f32 v17, v16;
	v17 =	vld [tilespmem:s18+$0xFFFFFFFE];
	(xrf2) =	vadd.scan.msk.f32 $0xffff, v13  }
0x96: {  	v19 =	vmul.f32 v19, v11;
	v26 =	vld [tilespmem:s29+$0xFFFFFFF0];
	v13 =	vadd.f32 v18, v15;
	v18 =	vmul.f32 v30, v9  }
0x97: {  	(v2sf) =	vpush v22, $0x0;
	v15 =	vmul.f32 v20, v8;
	v20 =	vld [tilespmem:s29+$0xFFFFFF70];
	v14 =	vmul.f32 v14, v10  }
0x98: {  	v22 =	vmul.f32 v23, v11;
	v23 =	vld [tilespmem:s19+$0x90];
	v13 =	vadd.f32 v18, v13;
	v18 =	vmul.f32 v25, v10  }
0x99: {  	v24 =	vmul.f32 v24, v9;
	v15 =	vadd.f32 v15, v21;
	v21 =	vld [tilespmem:s29+$0x70];
	v14 =	vadd.f32 v14, v16  }
0x9a: {  	v25 =	vld [tilespmem:s18+$0xFFFFFFFF];
	v13 =	vadd.f32 v18, v13;
	v18 =	vmul.f32 v58, v11  }
0x9b: {  	v16 =	vld [tilespmem:s18+$0x0];
	v15 =	vadd.f32 v24, v15;
	v24 =	vmul.f32 v27, v10;
	v14 =	vadd.f32 v19, v14  }
0x9c: {  	v19 =	vmul.f32 v26, v12;
	v13 =	vadd.f32 v18, v13;
	v18 =	vmul.f32 v20, v12;
	v20 =	vld [tilespmem:s19+$0x80]  }
0x9d: {  	v15 =	vadd.f32 v24, v15;
	v24 =	vld [tilespmem:s19+$0xA0]  }
0x9e: {  	v14 =	vadd.f32 v19, v14;
	v19 =	vld [tilespmem:s19+$0xB0];
	v13 =	vadd.f32 v18, v13  }
0x9f: {  	v18 =	vld [tilespmem:s19+$0xFFFFFF10];
	v26, _, _ =	vpop (xrf2)  }
0xa0: {  	v21 =	vmul.f32 v21, v12;
	v15 =	vadd.f32 v22, v15;
	v22 =	vld [tilespmem:s19+$0x0];
	(xrf2) =	vadd.scan.msk.f32 $0xffff, v13;
	(v2sf) =	vpush v26, $0xF  }
0xa1: {  	v13 =	vld [tilespmem:s19+$0xFFFFFF80];
	(xrf2) =	vadd.scan.msk.f32 $0xffff, v14;
	v14 =	vmul.f32 v20, v5;
	v20 =	vmul.f32 v23, v6  }
0xa2: {  	v15 =	vadd.f32 v21, v15;
	v21 =	vld [tilespmem:s19+$0xC0]  }
0xa3: {  	v23 =	vld [tilespmem:s19+$0xD0];
	(v2sf) =	vpush v17, $0x0;
	v14 =	vadd.f32 v20, v14;
	v20 =	vmul.f32 v24, v7  }
0xa4: {  	v17 =	vld [tilespmem:s19+$0xFFFFFF90];
	(xrf2) =	vadd.scan.msk.f32 $0xffff, v15;
	(v2sf) =	vpush v25, $0x0  }
0xa5: {  	v15 =	vld [tilespmem:s19+$0x10];
	(v2sf) =	vpush v16, $0x0;
	v16 =	vmul.f32 v19, v8;
	v14 =	vadd.f32 v20, v14  }
0xa6: {  	v19 =	vld [tilespmem:s19+$0xE0]  }
0xa7: {  	v20 =	vld [tilespmem:s19+$0xFFFFFF00];
	v14 =	vadd.f32 v16, v14;
	v16 =	vmul.f32 v21, v9  }
0xa8: {  	v21 =	vld [tilespmem:s19+$0xF0]  }
0xa9: {  	v25 =	vld [tilespmem:s19+$0xFFFFFF20];
	v14 =	vadd.f32 v16, v14;
	v16 =	vmul.f32 v23, v10  }
0xaa: {  	v18 =	vmul.f32 v18, v6;
	v23 =	vld [tilespmem:s19+$0xFFFFFFA0];
	v24, _, _ =	vpop (xrf2)  }
0xab: {  	(v2sf) =	vpush v24, $0xF;
	v24 =	vld [tilespmem:s19+$0x20];
	v26, _, _ =	vpop (xrf2);
	v14 =	vadd.f32 v16, v14;
	v16 =	vmul.f32 v19, v11  }
0xac: {  	v22 =	vmul.f32 v22, v5;
	v20 =	vmul.f32 v20, v5;
	v19 =	vld [tilespmem:s19+$0xFFFFFF30];
	(v2sf) =	vpush v26, $0xF  }
0xad: {  	v13 =	vmul.f32 v13, v5;
	v26 =	vld [tilespmem:s19+$0xFFFFFFB0];
	v14 =	vadd.f32 v16, v14;
	v16 =	vmul.f32 v21, v12  }
0xae: {  	s5 =	spop (v2sf);
	v17 =	vmul.f32 v17, v6;
	v15 =	vmul.f32 v15, v6;
	v27, _, _ =	vpop (xrf2);
	v18 =	vadd.f32 v18, v20;
	v21 =	vld [tilespmem:s19+$0x30]  }
0xaf: {  	s18 =	sadd.s32 $0x4, s18;
	s28 =	sand.u32 $0x3FFF, s5;
	v20 =	vmul.f32 v25, v7;
	v25 =	vld [tilespmem:s19+$0xFFFFFFC0];
	v14 =	vadd.f32 v16, v14;
	s29 =	spop (v2sf);
	(v2sf) =	vpush v27, $0xF  }
0xb0: {  	s28 =	ssub.s32 s28, s6;
	v13 =	vadd.f32 v17, v13;
	v15 =	vadd.f32 v15, v22;
	v17 =	vmul.f32 v23, v7;
	v16 =	vld [tilespmem:s18+$0x1]  }
0xb1: {  	s28 =	smul.u32 $0x1C, s28;
	v19 =	vmul.f32 v19, v8;
	(xrf2) =	vadd.scan.msk.f32 $0xffff, v14;
	v14 =	vadd.f32 v20, v18;
	v18 =	vmul.f32 v24, v7  }
0xb2: {  	s26 =	sshrl.u32 s5, $0xE;
	v22 =	vld [tilespmem:s19+$0x40];
	v13 =	vadd.f32 v17, v13;
	v17 =	vmul.f32 v26, v8  }
0xb3: {  	s26 =	sadd.s32 s26, s28;
	s30 =	spop (v2sf);
	v20 =	vld [tilespmem:s19+$0xFFFFFF50];
	v15 =	vadd.f32 v18, v15;
	v18 =	vadd.f32 v19, v14;
	v19 =	vmul.f32 v21, v8  }
0xb4: {  	v28 =	vmul.f32 v59, v9;
	v27 =	vmov s26;
	s29 =	sadd.f32 s29, s3;
	v24 =	vld [tilespmem:s19+$0xFFFFFFD0];
	s7 =	sand.u32 $0x3FFF, s30;
	s28 =	spop (v2sf);
	v13 =	vadd.f32 v17, v13  }
0xb5: {  	s26 =	ssub.s32 s7, s6;
	s5 =	sand.u32 $0x3FFF, s28;
	s8 =	spop (v2sf);
	v21 =	vld [tilespmem:s19+$0x50];
	(v2sf) =	vpush v16, $0x0;
	v15 =	vadd.f32 v19, v15;
	v19 =	vmul.f32 v25, v9  }
0xb6: {  	v23 =	vmov s29;
	v17 =	vld [tilespmem:s19+$0xFFFFFF60];
	s5 =	ssub.s32 s5, s6;
	s26 =	smul.u32 $0x1C, s26;
	s7 =	sand.u32 $0x3FFF, s8  }
0xb7: {  	s29 =	sshrl.u32 s30, $0xE;
	s5 =	smul.u32 $0x1C, s5;
	s7 =	ssub.s32 s7, s6;
	v25 =	vld [tilespmem:s19+$0xFFFFFFE0];
	v16 =	vadd.f32 v28, v18;
	v18 =	vmul.f32 v22, v9;
	v19 =	vadd.f32 v19, v13  }
0xb8: {  	v60 =	vld [tilespmem:s19+$0x60];
	s28 =	sshrl.u32 s28, $0xE;
	s26 =	sadd.s32 s29, s26;
	s7 =	smul.u32 $0x1C, s7;
	v20 =	vmul.f32 v20, v10  }
0xb9: {  	v61 =	vld [tilespmem:s19+$0xFFFFFF70];
	s30 =	sshrl.u32 s8, $0xE;
	v22 =	vmul.f32 v24, v10;
	v26 =	vmov s26;
	s5 =	sadd.s32 s28, s5;
	v15 =	vadd.f32 v18, v15  }
0xba: {  	v18 =	vld [tilespmem:s19+$0xFFFFFFF0];
	v14 =	vmov s5;
	s5 =	sadd.s32 s30, s7;
	v21 =	vmul.f32 v21, v10;
	v20 =	vadd.f32 v20, v16;
	s8 =	spop (v2sf)  }
0xbb: {  	v24 =	vmul.f32 v17, v11;
	v17 =	vld [tilespmem:s19+$0x70];
	v13 =	vmov s5;
	v62 =	vadd.f32 v22, v19;
	s26 =	sadd.f32 s8, s3;
	s29 =	spop (v2sf);
	v19, _, _ =	vpop (xrf2)  }
0xbc: {  	v16 =	vld [tilespmem:s18+$0xFFFFFFFE];
	v21 =	vadd.f32 v21, v15;
	v15 =	vmul.f32 v25, v11;
	s30 =	sadd.f32 s29, s3;
	(v2sf) =	vpush v19, $0xF  }
0xbd: {  	[tilespmem:v27+s25+$0x0] =	vst.idx.msk $0x1, v23;
	v22 =	vadd.f32 v24, v20;
	v25 =	vmul.f32 v60, v11;
	v19 =	vld [tilespmem:s18+$0xFFFFFFFF];
	v63 =	vmov s26  }
0xbe: {  	s19 =	simm.s32 $0x4;
	v24 =	vmul.f32 v61, v12;
	v20 =	vld [tilespmem:s18+$0x0];
	v23 =	vadd.f32 v15, v62;
	s26 =	simm.s32 $0x4580;
	[tilespmem:v26+s25+$0x0] =	vst.idx.msk $0x1, v63;
	v15 =	vmov s30;
	s28 =	spop (v2sf)  }
.LBB2_9:
0xbf: {  	v26 =	vld [tilespmem:s26+$0x80];
	v18 =	vmul.f32 v18, v12;
	v21 =	vadd.f32 v25, v21;
	[tilespmem:v14+s25+$0x0] =	vst.idx.msk $0x1, v15;
	s5 =	sadd.f32 s28, s3  }
0xc0: {  	s19 =	sadd.s32 $0x4, s19;
	v14 =	vld [tilespmem:s26+$0x90];
	v15 =	vadd.f32 v24, v22;
	v17 =	vmul.f32 v17, v12  }
0xc1: {  	p0 =	slt.u32 s19, $0x7C;
	v22 =	vld [tilespmem:s26+$0xFFFFFF10];
	v18 =	vadd.f32 v18, v23;
	(v2sf) =	vpush v16, $0x0;
	v16 =	vmov s5  }
0xc2: {  	v23 =	vld [tilespmem:s26+$0xA0];
	v17 =	vadd.f32 v17, v21;
	(xrf2) =	vadd.scan.msk.f32 $0xffff, v15;
	(v2sf) =	vpush v19, $0x0;
	[tilespmem:v13+s25+$0x0] =	vst.idx.msk $0x1, v16  }
0xc3: {  	v13 =	vld [tilespmem:s26+$0xFFFFFF80];
	(v2sf) =	vpush v20, $0x0  }
0xc4: {  	v15 =	vld [tilespmem:s26+$0xB0];
	s5 =	spop (v2sf)  }
0xc5: {  	v19 =	vmul.f32 v26, v5;
	v16 =	vld [tilespmem:s26+$0xFFFFFF90];
	v14 =	vmul.f32 v14, v6;
	s7 =	sand.u32 $0x3FFF, s5;
	(xrf2) =	vadd.scan.msk.f32 $0xffff, v18  }
0xc6: {  	v18 =	vmul.f32 v22, v6;
	v20 =	vld [tilespmem:s26+$0xC0];
	s7 =	ssub.s32 s7, s6  }
0xc7: {  	v21 =	vld [tilespmem:s26+$0x0];
	v14 =	vadd.f32 v14, v19;
	v19 =	vmul.f32 v23, v7;
	s7 =	smul.u32 $0x1C, s7  }
0xc8: {  	s5 =	sshrl.u32 s5, $0xE;
	v13 =	vmul.f32 v13, v5;
	v22 =	vld [tilespmem:s26+$0xD0];
	(xrf2) =	vadd.scan.msk.f32 $0xffff, v17  }
0xc9: {  	v17 =	vld [tilespmem:s26+$0x10];
	v14 =	vadd.f32 v19, v14;
	v15 =	vmul.f32 v15, v8;
	s5 =	sadd.s32 s5, s7  }
0xca: {  	v16 =	vmul.f32 v16, v6;
	v19 =	vld [tilespmem:s26+$0xE0];
	v23 =	vmov s5  }
0xcb: {  	v24 =	vld [tilespmem:s26+$0xFFFFFF00];
	v14 =	vadd.f32 v15, v14;
	v15 =	vmul.f32 v20, v9;
	s5 =	spop (v2sf)  }
0xcc: {  	v13 =	vadd.f32 v16, v13;
	v16 =	vmul.f32 v21, v5;
	v20 =	vld [tilespmem:s26+$0xF0];
	s5 =	sadd.f32 s5, s3;
	v21, _, _ =	vpop (xrf2)  }
0xcd: {  	v25 =	vld [tilespmem:s26+$0xFFFFFF20];
	v14 =	vadd.f32 v15, v14;
	v15 =	vmul.f32 v22, v10;
	(v2sf) =	vpush v21, $0xF  }
0xce: {  	v21 =	vld [tilespmem:s26+$0xFFFFFFA0];
	v17 =	vmul.f32 v17, v6;
	v22 =	vmov s5  }
0xcf: {  	v26 =	vld [tilespmem:s26+$0x20];
	v14 =	vadd.f32 v15, v14;
	v15 =	vmul.f32 v19, v11;
	[tilespmem:v23+s25+$0x0] =	vst.idx.msk $0x1, v22;
	v19, _, _ =	vpop (xrf2)  }
0xd0: {  	v24 =	vmul.f32 v24, v5;
	v23 =	vld [tilespmem:s26+$0xFFFFFF30];
	v16 =	vadd.f32 v17, v16;
	s5 =	spop (v2sf);
	(v2sf) =	vpush v19, $0xF  }
0xd1: {  	v17 =	vld [tilespmem:s26+$0xFFFFFFB0];
	v14 =	vadd.f32 v15, v14;
	v15 =	vmul.f32 v20, v12;
	s7 =	sshrl.u32 s5, $0xE;
	s5 =	sand.u32 $0x3FFF, s5;
	s28 =	spop (v2sf)  }
0xd2: {  	v18 =	vadd.f32 v18, v24;
	v19 =	vmul.f32 v25, v7;
	v20 =	vld [tilespmem:s26+$0x30];
	s5 =	ssub.s32 s5, s6;
	s29 =	sand.u32 $0x3FFF, s28;
	v22, _, _ =	vpop (xrf2);
	s30 =	spop (v2sf)  }
0xd3: {  	s18 =	sadd.s32 $0x4, s18;
	v24 =	vld [tilespmem:s26+$0xFFFFFF40];
	v21 =	vmul.f32 v21, v7;
	v14 =	vadd.f32 v15, v14;
	s29 =	ssub.s32 s29, s6;
	s8 =	sand.u32 $0x3FFF, s30;
	(v2sf) =	vpush v22, $0xF  }
0xd4: {  	s28 =	sshrl.u32 s28, $0xE;
	s5 =	smul.u32 $0x1C, s5;
	v15 =	vadd.f32 v19, v18;
	v18 =	vmul.f32 v26, v7;
	v19 =	vld [tilespmem:s18+$0x1];
	s8 =	ssub.s32 s8, s6  }
0xd5: {  	s30 =	sshrl.u32 s30, $0xE;
	s29 =	smul.u32 $0x1C, s29;
	v22 =	vmul.f32 v23, v8;
	v13 =	vadd.f32 v21, v13;
	v21 =	vld [tilespmem:s26+$0xFFFFFFC0];
	(xrf2) =	vadd.scan.msk.f32 $0xffff, v14  }
0xd6: {  	s5 =	sadd.s32 s7, s5;
	s7 =	smul.u32 $0x1C, s8;
	v14 =	vmul.f32 v17, v8;
	v16 =	vadd.f32 v18, v16;
	v17 =	vld [tilespmem:s26+$0x40]  }
0xd7: {  	v15 =	vadd.f32 v22, v15;
	v18 =	vld [tilespmem:s26+$0xFFFFFF50];
	v20 =	vmul.f32 v20, v8;
	v22 =	vmov s5;
	s5 =	sadd.s32 s28, s29  }
0xd8: {  	v23 =	vmul.f32 v24, v9;
	v24 =	vadd.f32 v14, v13;
	v25 =	vld [tilespmem:s26+$0xFFFFFFD0];
	v14 =	vmov s5;
	s5 =	sadd.s32 s30, s7  }
0xd9: {  	v16 =	vadd.f32 v20, v16;
	v20 =	vld [tilespmem:s26+$0x50];
	(v2sf) =	vpush v19, $0x0;
	v13 =	vmov s5  }
0xda: {  	v15 =	vadd.f32 v23, v15;
	v19 =	vld [tilespmem:s26+$0xFFFFFF60];
	v21 =	vmul.f32 v21, v9  }
0xdb: {  	v23 =	vld [tilespmem:s26+$0xFFFFFFE0];
	v17 =	vmul.f32 v17, v9  }
0xdc: {  	v18 =	vmul.f32 v18, v10;
	v21 =	vadd.f32 v21, v24;
	v24 =	vld [tilespmem:s26+$0x60];
	s5 =	spop (v2sf)  }
0xdd: {  	v26 =	vld [tilespmem:s26+$0xFFFFFF70];
	v29 =	vmul.f32 v25, v10;
	v27 =	vadd.f32 v17, v16;
	s5 =	sadd.f32 s5, s3  }
.Ltmp6:
0xde: {  	v15 =	vadd.f32 v18, v15;
	v18 =	vld [tilespmem:s26+$0xFFFFFFF0];
	v20 =	vmul.f32 v20, v10;
	(pc) =	sbr.rel @p0 .LBB2_9-.Ltmp6, $4  }
0xdf: {  	v19 =	vmul.f32 v19, v11;
	v28 =	vadd.f32 v29, v21;
	v17 =	vld [tilespmem:s26+$0x70];
	v25, _, _ =	vpop (xrf2);
	v29 =	vmov s5;
	s5 =	spop (v2sf)  }
0xe0: {  	v16 =	vld [tilespmem:s18+$0xFFFFFFFE];
	v23 =	vmul.f32 v23, v11;
	v21 =	vadd.f32 v20, v27;
	(v2sf) =	vpush v25, $0xF;
	[tilespmem:v22+s25+$0x0] =	vst.idx.msk $0x1, v29;
	s5 =	sadd.f32 s5, s3  }
0xe1: {  	v22 =	vadd.f32 v19, v15;
	v19 =	vld [tilespmem:s18+$0xFFFFFFFF];
	v25 =	vmul.f32 v24, v11  }
0xe2: {  	s26 =	sadd.s32 $0x200, s26;
	v24 =	vmul.f32 v26, v12;
	v23 =	vadd.f32 v23, v28;
	v20 =	vld [tilespmem:s18+$0x0];
	v15 =	vmov s5;
	s28 =	spop (v2sf)  }
0xe3: {  	v18 =	vmul.f32 v18, v12  }
0xe4: {  	v22 =	vadd.f32 v24, v22  }
0xe5: {  	v21 =	vadd.f32 v25, v21;
	v17 =	vmul.f32 v17, v12;
	v18 =	vadd.f32 v18, v23  }
0xe6: {  	(xrf2) =	vadd.scan.msk.f32 $0xffff, v22  }
0xe7: {  	v17 =	vadd.f32 v17, v21;
	(xrf2) =	vadd.scan.msk.f32 $0xffff, v18;
	_ =	sdelay $0x1  }
0xe8: {  	(xrf2) =	vadd.scan.msk.f32 $0xffff, v17  }
0xe9: {  	(v2sf) =	vpush v16, $0x0  }
0xea: {  	(v2sf) =	vpush v19, $0x0  }
0xeb: {  	(v2sf) =	vpush v20, $0x0;
	_ =	sdelay $0x3  }
0xec: {  	v58, _, _ =	vpop (xrf2)  }
0xed: {  	(v2sf) =	vpush v58, $0xF;
	v59, _, _ =	vpop (xrf2)  }
0xee: {  	(v2sf) =	vpush v59, $0xF  }
0xef: {  	v60, _, _ =	vpop (xrf2)  }
0xf0: {  	(v2sf) =	vpush v60, $0xF  }
0xf1: {  	s5 =	spop (v2sf)  }
0xf2: {  	s7 =	sand.u32 $0x3FFF, s5  }
0xf3: {  	s7 =	ssub.s32 s7, s6  }
0xf4: {  	s7 =	smul.u32 $0x1C, s7;
	s8 =	spop (v2sf)  }
0xf5: {  	s28 =	sadd.f32 s28, s3;
	s5 =	sshrl.u32 s5, $0xE;
	s18 =	spop (v2sf)  }
0xf6: {  	s5 =	sadd.s32 s5, s7;
	s30 =	sand.u32 $0x3FFF, s18;
	s19 =	spop (v2sf)  }
0xf7: {  	s7 =	ssub.s32 s30, s6;
	s26 =	sand.u32 $0x3FFF, s19;
	s29 =	spop (v2sf)  }
0xf8: {  	s26 =	ssub.s32 s26, s6;
	s30 =	sand.u32 $0x3FFF, s29;
	s7 =	smul.u32 $0x1C, s7  }
0xf9: {  	s18 =	sshrl.u32 s18, $0xE;
	s30 =	ssub.s32 s30, s6;
	s26 =	smul.u32 $0x1C, s26  }
0xfa: {  	s7 =	sadd.s32 s18, s7;
	s18 =	sshrl.u32 s19, $0xE;
	s19 =	smul.u32 $0x1C, s30  }
0xfb: {  	v61 =	vmov s5;
	s8 =	sadd.f32 s8, s3;
	s30 =	sshrl.u32 s29, $0xE  }
0xfc: {  	v62 =	vmov s7;
	s7 =	sadd.s32 s18, s26;
	s18 =	sadd.s32 s30, s19;
	s19 =	spop (v2sf)  }
0xfd: {  	[tilespmem:v14+s25+$0x0] =	vst.idx.msk $0x1, v15;
	v14 =	vmov s28;
	v63 =	vmov s7;
	s26 =	sadd.f32 s19, s3;
	s28 =	spop (v2sf)  }
0xfe: {  	p0 =	seq.s32 s17, $0x0;
	v15 =	vmov s18;
	s7 =	sadd.f32 s28, s3  }
.Ltmp7:
0xff: {  	[tilespmem:v13+s25+$0x0] =	vst.idx.msk $0x1, v14;
	v13 =	vmov s8;
	s29 =	spop (v2sf);
	(pc) =	sbr.rel @p0 .LBB2_14-.Ltmp7, $4  }
0x100: {  	[tilespmem:v61+s25+$0x0] =	vst.idx.msk $0x1, v13;
	v13 =	vmov s26;
	s30 =	sadd.f32 s29, s3  }
0x101: {  	[tilespmem:v62+s25+$0x0] =	vst.idx.msk $0x1, v13;
	v13 =	vmov s7  }
0x102: {  	[tilespmem:v63+s25+$0x0] =	vst.idx.msk $0x1, v13;
	v13 =	vmov s30  }
0x103: {  	[tilespmem:v15+s25+$0x0] =	vst.idx.msk $0x1, v13  }
.LBB2_11:
0x104: {  	s2 =	sadd.s32 $0x1, s22  }
0x105: {  	p0 =	sge.s32 s2, s0  }
0x106: {  	s5 =	sshll.u32 @!p0 s2, $0x9  }
0x107: {  	s5 =	sshra.s32 @!p0 s5, $0x2  }
0x108: {  	s7 =	simm.s32 @!p0 $0x80;
	s8 =	simm.s32 @!p0 $0x4080;
	s5 =	sadd.s32 @!p0 $0x480, s5  }
0x109: {  	[tilespmem:s8], [sflag:$0x1] =	stream.indirect.gather @!p0 [hbm4b:s1+s7], $0x80, s5, s7, $0xb8;
	[tilespmem:$0xF880] =	vst v63  }
0x10a: {  	_ =	swait.ge [sflag:s24], $0x4000  }
0x10b: {  	[sflag:s24] =	ssyncset.done $0x0  }
0x10c: {  	s18 =	simm.s32 $0x8270;
	[sflag:s24] =	ssyncadd.s32 $0xFFFFC000  }
0x10d: {  	v13 =	vld [tilespmem:s18+$0xFFFFFF90]  }
0x10e: {  	v14 =	vld [tilespmem:s18+$0xFFFFFFA0]  }
0x10f: {  	v15 =	vld [tilespmem:s18+$0xFFFFFE20]  }
0x110: {  	v16 =	vld [tilespmem:s18+$0xFFFFFFB0]  }
0x111: {  	v17 =	vld [tilespmem:s18+$0xFFFFFE90]  }
0x112: {  	v18 =	vld [tilespmem:s18+$0xFFFFFFC0]  }
0x113: {  	v19 =	vld [tilespmem:s18+$0xFFFFFEA0]  }
0x114: {  	v20 =	vld [tilespmem:s18+$0xFFFFFFD0]  }
0x115: {  	v21 =	vld [tilespmem:s18+$0xFFFFFF10]  }
0x116: {  	v22 =	vld [tilespmem:s18+$0xFFFFFFE0]  }
0x117: {  	v23 =	vld [tilespmem:s18+$0xFFFFFF20]  }
0x118: {  	v24 =	vld [tilespmem:s18+$0xFFFFFFF0]  }
0x119: {  	v25 =	vld [tilespmem:s18+$0xFFFFFE10]  }
0x11a: {  	v26 =	vld [tilespmem:s18+$0x0]  }
0x11b: {  	v27 =	vld [tilespmem:s18+$0xFFFFFE30]  }
0x11c: {  	v28 =	vld [tilespmem:s18+$0xFFFFFF30];
	v13 =	vmul.f32 v13, v5;
	v14 =	vmul.f32 v14, v6  }
0x11d: {  	v29 =	vld [tilespmem:s18+$0xFFFFFEC0]  }
0x11e: {  	v30 =	vld [tilespmem:s18+$0xFFFFFE50];
	v17 =	vmul.f32 v17, v5;
	v13 =	vadd.f32 v14, v13;
	v14 =	vmul.f32 v16, v7  }
0x11f: {  	v31 =	vld [tilespmem:s18+$0xFFFFFED0];
	v19 =	vmul.f32 v19, v6;
	v15 =	vmul.f32 v15, v6  }
0x120: {  	v21 =	vmul.f32 v21, v5;
	v16 =	vld [tilespmem:s18+$0xFFFFFEB0];
	v13 =	vadd.f32 v14, v13;
	v14 =	vmul.f32 v18, v8  }
0x121: {  	v58 =	vld [tilespmem:s18+$0xFFFFFE70];
	v23 =	vmul.f32 v23, v6;
	v17 =	vadd.f32 v19, v17;
	v19 =	vmul.f32 v25, v5  }
0x122: {  	v25 =	vld [tilespmem:s18+$0xFFFFFE60];
	v13 =	vadd.f32 v14, v13;
	v14 =	vmul.f32 v20, v9  }
0x123: {  	v21 =	vadd.f32 v23, v21;
	v23 =	vmul.f32 v28, v7;
	v18 =	vld [tilespmem:s18+$0xFFFFFE40];
	v15 =	vadd.f32 v15, v19  }
0x124: {  	v19 =	vmul.f32 v27, v7;
	v27 =	vld [tilespmem:s18+$0xFFFFFF60];
	v13 =	vadd.f32 v14, v13;
	v14 =	vmul.f32 v22, v10  }
0x125: {  	s19 =	sshll.u32 s22, $0x9;
	v21 =	vadd.f32 v23, v21;
	v23 =	vld [tilespmem:s18+$0xFFFFFF70];
	v16 =	vmul.f32 v16, v7  }
0x126: {  	s5 =	sshra.s32 s19, $0x2;
	v20 =	vld [tilespmem:s18+$0xFFFFFF40];
	v13 =	vadd.f32 v14, v13;
	v14 =	vmul.f32 v24, v11  }
0x127: {  	s17 =	sadd.s32 $0x482, s5;
	v15 =	vadd.f32 v19, v15;
	v19 =	vld [tilespmem:s18+$0xFFFFFEF0];
	v16 =	vadd.f32 v16, v17;
	v17 =	vmul.f32 v29, v8  }
0x128: {  	v26 =	vmul.f32 v26, v12;
	v22 =	vld [tilespmem:s17+$0x1];
	v13 =	vadd.f32 v14, v13  }
0x129: {  	v16 =	vadd.f32 v17, v16;
	v17 =	vmul.f32 v31, v9;
	v14 =	vld [tilespmem:s18+$0xFFFFFEE0]  }
0x12a: {  	v18 =	vmul.f32 v18, v8;
	v24 =	vld [tilespmem:s18+$0xFFFFFF50];
	v13 =	vadd.f32 v26, v13  }
0x12b: {  	v16 =	vadd.f32 v17, v16;
	v17 =	vld [tilespmem:s17+$0xFFFFFFFE]  }
0x12c: {  	v26 =	vld [tilespmem:s18+$0xFFFFFF00];
	(xrf2) =	vadd.scan.msk.f32 $0xffff, v13;
	v13 =	vadd.f32 v18, v15;
	v15 =	vmul.f32 v20, v8  }
0x12d: {  	v18 =	vmul.f32 v30, v9;
	v20 =	vld [tilespmem:s18+$0xFFFFFE80]  }
0x12e: {  	v14 =	vmul.f32 v14, v10;
	v15 =	vadd.f32 v15, v21;
	v21 =	vld [tilespmem:s18+$0xFFFFFF80]  }
0x12f: {  	v19 =	vmul.f32 v19, v11;
	v13 =	vadd.f32 v18, v13;
	v18 =	vmul.f32 v25, v10;
	v25 =	vld [tilespmem:s17+$0xFFFFFFFF]  }
0x130: {  	(v2sf) =	vpush v22, $0x0;
	v24 =	vmul.f32 v24, v9;
	s18 =	simm.s32 $0x8470;
	v14 =	vadd.f32 v14, v16;
	v16 =	vld [tilespmem:s17+$0x0]  }
0x131: {  	v22 =	vmul.f32 v23, v11;
	v23 =	vld [tilespmem:s18+$0xFFFFFFA0];
	v13 =	vadd.f32 v18, v13;
	v18 =	vmul.f32 v58, v11  }
0x132: {  	v59 =	vld [tilespmem:s18+$0xFFFFFE50];
	v15 =	vadd.f32 v24, v15;
	v24 =	vmul.f32 v27, v10;
	v14 =	vadd.f32 v19, v14  }
0x133: {  	v19 =	vmul.f32 v26, v12;
	v13 =	vadd.f32 v18, v13;
	v18 =	vmul.f32 v20, v12;
	v20 =	vld [tilespmem:s18+$0xFFFFFF90]  }
0x134: {  	v15 =	vadd.f32 v24, v15;
	v24 =	vld [tilespmem:s18+$0xFFFFFFB0]  }
0x135: {  	v14 =	vadd.f32 v19, v14;
	v19 =	vld [tilespmem:s18+$0xFFFFFFC0];
	v13 =	vadd.f32 v18, v13  }
0x136: {  	v18 =	vld [tilespmem:s18+$0xFFFFFE20];
	v26, _, _ =	vpop (xrf2)  }
0x137: {  	v21 =	vmul.f32 v21, v12;
	v15 =	vadd.f32 v22, v15;
	v22 =	vld [tilespmem:s18+$0xFFFFFF10];
	(xrf2) =	vadd.scan.msk.f32 $0xffff, v13;
	(v2sf) =	vpush v26, $0xF  }
0x138: {  	v13 =	vld [tilespmem:s18+$0xFFFFFE90];
	(xrf2) =	vadd.scan.msk.f32 $0xffff, v14;
	v14 =	vmul.f32 v20, v5;
	v20 =	vmul.f32 v23, v6  }
0x139: {  	v15 =	vadd.f32 v21, v15;
	v21 =	vld [tilespmem:s18+$0xFFFFFFD0]  }
0x13a: {  	v23 =	vld [tilespmem:s18+$0xFFFFFFE0];
	(v2sf) =	vpush v17, $0x0;
	v14 =	vadd.f32 v20, v14;
	v20 =	vmul.f32 v24, v7  }
0x13b: {  	v17 =	vld [tilespmem:s18+$0xFFFFFEA0];
	(xrf2) =	vadd.scan.msk.f32 $0xffff, v15;
	(v2sf) =	vpush v25, $0x0  }
0x13c: {  	v15 =	vld [tilespmem:s18+$0xFFFFFF20];
	(v2sf) =	vpush v16, $0x0;
	v16 =	vmul.f32 v19, v8;
	v14 =	vadd.f32 v20, v14  }
0x13d: {  	v19 =	vld [tilespmem:s18+$0xFFFFFFF0]  }
0x13e: {  	v20 =	vld [tilespmem:s18+$0xFFFFFE10];
	v14 =	vadd.f32 v16, v14;
	v16 =	vmul.f32 v21, v9  }
0x13f: {  	v21 =	vld [tilespmem:s18+$0x0]  }
0x140: {  	v25 =	vld [tilespmem:s18+$0xFFFFFE30];
	v14 =	vadd.f32 v16, v14;
	v16 =	vmul.f32 v23, v10  }
0x141: {  	v18 =	vmul.f32 v18, v6;
	v23 =	vld [tilespmem:s18+$0xFFFFFEB0];
	v24, _, _ =	vpop (xrf2)  }
0x142: {  	(v2sf) =	vpush v24, $0xF;
	v24 =	vld [tilespmem:s18+$0xFFFFFF30];
	v26, _, _ =	vpop (xrf2);
	v14 =	vadd.f32 v16, v14;
	v16 =	vmul.f32 v19, v11  }
0x143: {  	v22 =	vmul.f32 v22, v5;
	v20 =	vmul.f32 v20, v5;
	v19 =	vld [tilespmem:s18+$0xFFFFFE40];
	(v2sf) =	vpush v26, $0xF  }
0x144: {  	v13 =	vmul.f32 v13, v5;
	v26 =	vld [tilespmem:s18+$0xFFFFFEC0];
	v14 =	vadd.f32 v16, v14;
	v16 =	vmul.f32 v21, v12  }
0x145: {  	s22 =	spop (v2sf);
	v17 =	vmul.f32 v17, v6;
	v15 =	vmul.f32 v15, v6;
	v27, _, _ =	vpop (xrf2);
	v18 =	vadd.f32 v18, v20;
	v21 =	vld [tilespmem:s18+$0xFFFFFF40]  }
0x146: {  	s17 =	sadd.s32 $0x4, s17;
	s26 =	sand.u32 $0x3FFF, s22;
	v20 =	vmul.f32 v25, v7;
	v25 =	vld [tilespmem:s18+$0xFFFFFED0];
	v14 =	vadd.f32 v16, v14;
	s28 =	spop (v2sf);
	(v2sf) =	vpush v27, $0xF  }
0x147: {  	s7 =	ssub.s32 s26, s6;
	v13 =	vadd.f32 v17, v13;
	v15 =	vadd.f32 v15, v22;
	v17 =	vmul.f32 v23, v7;
	v16 =	vld [tilespmem:s17+$0x1]  }
0x148: {  	s7 =	smul.u32 $0x1C, s7;
	v19 =	vmul.f32 v19, v8;
	(xrf2) =	vadd.scan.msk.f32 $0xffff, v14;
	v14 =	vadd.f32 v20, v18;
	v18 =	vmul.f32 v24, v7  }
0x149: {  	s5 =	sshrl.u32 s22, $0xE;
	v22 =	vld [tilespmem:s18+$0xFFFFFF50];
	v13 =	vadd.f32 v17, v13;
	v17 =	vmul.f32 v26, v8  }
0x14a: {  	s5 =	sadd.s32 s5, s7;
	s19 =	spop (v2sf);
	s8 =	sadd.f32 s28, s3;
	v20 =	vld [tilespmem:s18+$0xFFFFFE60];
	v15 =	vadd.f32 v18, v15;
	v18 =	vadd.f32 v19, v14;
	v19 =	vmul.f32 v21, v8  }
0x14b: {  	v28 =	vmul.f32 v59, v9;
	v27 =	vmov s5;
	v24 =	vld [tilespmem:s18+$0xFFFFFEE0];
	s29 =	sand.u32 $0x3FFF, s19;
	s30 =	spop (v2sf);
	s28 =	sshrl.u32 s19, $0xE;
	v13 =	vadd.f32 v17, v13  }
0x14c: {  	s5 =	ssub.s32 s29, s6;
	s26 =	sand.u32 $0x3FFF, s30;
	s29 =	spop (v2sf);
	v21 =	vld [tilespmem:s18+$0xFFFFFF60];
	(v2sf) =	vpush v16, $0x0;
	v15 =	vadd.f32 v19, v15;
	v19 =	vmul.f32 v25, v9  }
0x14d: {  	v17 =	vld [tilespmem:s18+$0xFFFFFE70];
	s22 =	ssub.s32 s26, s6;
	s5 =	smul.u32 $0x1C, s5;
	s26 =	sand.u32 $0x3FFF, s29  }
0x14e: {  	s7 =	sshrl.u32 s30, $0xE;
	s22 =	smul.u32 $0x1C, s22;
	s30 =	ssub.s32 s26, s6;
	v25 =	vld [tilespmem:s18+$0xFFFFFEF0];
	v16 =	vadd.f32 v28, v18;
	v18 =	vmul.f32 v22, v9;
	v19 =	vadd.f32 v19, v13  }
0x14f: {  	v60 =	vld [tilespmem:s18+$0xFFFFFF70];
	v23 =	vmov s8;
	s5 =	sadd.s32 s28, s5;
	s8 =	smul.u32 $0x1C, s30;
	v20 =	vmul.f32 v20, v10  }
0x150: {  	v61 =	vld [tilespmem:s18+$0xFFFFFE80];
	v22 =	vmul.f32 v24, v10;
	v26 =	vmov s5;
	s7 =	sadd.s32 s7, s22;
	s22 =	sshrl.u32 s29, $0xE;
	v15 =	vadd.f32 v18, v15  }
0x151: {  	v18 =	vld [tilespmem:s18+$0xFFFFFF00];
	v14 =	vmov s7;
	s5 =	sadd.s32 s22, s8;
	v21 =	vmul.f32 v21, v10;
	v20 =	vadd.f32 v20, v16;
	s26 =	spop (v2sf)  }
0x152: {  	v24 =	vmul.f32 v17, v11;
	v17 =	vld [tilespmem:s18+$0xFFFFFF80];
	v13 =	vmov s5;
	v62 =	vadd.f32 v22, v19;
	s28 =	sadd.f32 s26, s3;
	s29 =	spop (v2sf);
	v19, _, _ =	vpop (xrf2)  }
0x153: {  	v16 =	vld [tilespmem:s17+$0xFFFFFFFE];
	v21 =	vadd.f32 v21, v15;
	v15 =	vmul.f32 v25, v11;
	s30 =	sadd.f32 s29, s3;
	(v2sf) =	vpush v19, $0xF  }
0x154: {  	[tilespmem:v27+s25+$0x0] =	vst.idx.msk $0x1, v23;
	v22 =	vadd.f32 v24, v20;
	v25 =	vmul.f32 v60, v11;
	v19 =	vld [tilespmem:s17+$0xFFFFFFFF];
	v63 =	vmov s28  }
0x155: {  	s19 =	simm.s32 $0x8670;
	s18 =	simm.s32 $0x4;
	v24 =	vmul.f32 v61, v12;
	v20 =	vld [tilespmem:s17+$0x0];
	v23 =	vadd.f32 v15, v62;
	[tilespmem:v26+s25+$0x0] =	vst.idx.msk $0x1, v63;
	v15 =	vmov s30;
	s22 =	spop (v2sf)  }
.LBB2_12:
0x156: {  	v26 =	vld [tilespmem:s19+$0xFFFFFF90];
	v18 =	vmul.f32 v18, v12;
	v21 =	vadd.f32 v25, v21;
	[tilespmem:v14+s25+$0x0] =	vst.idx.msk $0x1, v15;
	s5 =	sadd.f32 s22, s3  }
0x157: {  	s18 =	sadd.s32 $0x4, s18;
	v14 =	vld [tilespmem:s19+$0xFFFFFFA0];
	v15 =	vadd.f32 v24, v22;
	v17 =	vmul.f32 v17, v12  }
0x158: {  	p0 =	slt.u32 s18, $0x7C;
	v22 =	vld [tilespmem:s19+$0xFFFFFE20];
	v18 =	vadd.f32 v18, v23;
	(v2sf) =	vpush v16, $0x0;
	v16 =	vmov s5  }
0x159: {  	v23 =	vld [tilespmem:s19+$0xFFFFFFB0];
	v17 =	vadd.f32 v17, v21;
	(xrf2) =	vadd.scan.msk.f32 $0xffff, v15;
	(v2sf) =	vpush v19, $0x0;
	[tilespmem:v13+s25+$0x0] =	vst.idx.msk $0x1, v16  }
0x15a: {  	v13 =	vld [tilespmem:s19+$0xFFFFFE90];
	(v2sf) =	vpush v20, $0x0  }
0x15b: {  	v15 =	vld [tilespmem:s19+$0xFFFFFFC0];
	s5 =	spop (v2sf)  }
0x15c: {  	v19 =	vmul.f32 v26, v5;
	v16 =	vld [tilespmem:s19+$0xFFFFFEA0];
	v14 =	vmul.f32 v14, v6;
	s7 =	sand.u32 $0x3FFF, s5;
	(xrf2) =	vadd.scan.msk.f32 $0xffff, v18  }
0x15d: {  	v18 =	vmul.f32 v22, v6;
	v20 =	vld [tilespmem:s19+$0xFFFFFFD0];
	s7 =	ssub.s32 s7, s6  }
0x15e: {  	v21 =	vld [tilespmem:s19+$0xFFFFFF10];
	v14 =	vadd.f32 v14, v19;
	v19 =	vmul.f32 v23, v7;
	s7 =	smul.u32 $0x1C, s7  }
0x15f: {  	s5 =	sshrl.u32 s5, $0xE;
	v13 =	vmul.f32 v13, v5;
	v22 =	vld [tilespmem:s19+$0xFFFFFFE0];
	(xrf2) =	vadd.scan.msk.f32 $0xffff, v17  }
0x160: {  	v17 =	vld [tilespmem:s19+$0xFFFFFF20];
	v14 =	vadd.f32 v19, v14;
	v15 =	vmul.f32 v15, v8;
	s5 =	sadd.s32 s5, s7  }
0x161: {  	v16 =	vmul.f32 v16, v6;
	v19 =	vld [tilespmem:s19+$0xFFFFFFF0];
	v23 =	vmov s5  }
0x162: {  	v24 =	vld [tilespmem:s19+$0xFFFFFE10];
	v14 =	vadd.f32 v15, v14;
	v15 =	vmul.f32 v20, v9;
	s5 =	spop (v2sf)  }
0x163: {  	v13 =	vadd.f32 v16, v13;
	v16 =	vmul.f32 v21, v5;
	v20 =	vld [tilespmem:s19+$0x0];
	s5 =	sadd.f32 s5, s3;
	v21, _, _ =	vpop (xrf2)  }
0x164: {  	v25 =	vld [tilespmem:s19+$0xFFFFFE30];
	v14 =	vadd.f32 v15, v14;
	v15 =	vmul.f32 v22, v10;
	(v2sf) =	vpush v21, $0xF  }
0x165: {  	v21 =	vld [tilespmem:s19+$0xFFFFFEB0];
	v17 =	vmul.f32 v17, v6;
	v22 =	vmov s5  }
0x166: {  	v26 =	vld [tilespmem:s19+$0xFFFFFF30];
	v14 =	vadd.f32 v15, v14;
	v15 =	vmul.f32 v19, v11;
	[tilespmem:v23+s25+$0x0] =	vst.idx.msk $0x1, v22;
	v19, _, _ =	vpop (xrf2)  }
0x167: {  	v24 =	vmul.f32 v24, v5;
	v23 =	vld [tilespmem:s19+$0xFFFFFE40];
	v16 =	vadd.f32 v17, v16;
	s5 =	spop (v2sf);
	(v2sf) =	vpush v19, $0xF  }
0x168: {  	v17 =	vld [tilespmem:s19+$0xFFFFFEC0];
	v14 =	vadd.f32 v15, v14;
	v15 =	vmul.f32 v20, v12;
	s7 =	sshrl.u32 s5, $0xE;
	s5 =	sand.u32 $0x3FFF, s5;
	s8 =	spop (v2sf)  }
0x169: {  	v18 =	vadd.f32 v18, v24;
	v19 =	vmul.f32 v25, v7;
	v20 =	vld [tilespmem:s19+$0xFFFFFF40];
	s5 =	ssub.s32 s5, s6;
	s22 =	sand.u32 $0x3FFF, s8;
	v22, _, _ =	vpop (xrf2);
	s26 =	spop (v2sf)  }
0x16a: {  	s17 =	sadd.s32 $0x4, s17;
	v24 =	vld [tilespmem:s19+$0xFFFFFE50];
	v21 =	vmul.f32 v21, v7;
	v14 =	vadd.f32 v15, v14;
	s22 =	ssub.s32 s22, s6;
	s28 =	sand.u32 $0x3FFF, s26;
	(v2sf) =	vpush v22, $0xF  }
0x16b: {  	s8 =	sshrl.u32 s8, $0xE;
	s5 =	smul.u32 $0x1C, s5;
	v15 =	vadd.f32 v19, v18;
	v18 =	vmul.f32 v26, v7;
	v19 =	vld [tilespmem:s17+$0x1];
	s28 =	ssub.s32 s28, s6  }
0x16c: {  	s26 =	sshrl.u32 s26, $0xE;
	s22 =	smul.u32 $0x1C, s22;
	v22 =	vmul.f32 v23, v8;
	v13 =	vadd.f32 v21, v13;
	v21 =	vld [tilespmem:s19+$0xFFFFFED0];
	(xrf2) =	vadd.scan.msk.f32 $0xffff, v14  }
0x16d: {  	s5 =	sadd.s32 s7, s5;
	s7 =	smul.u32 $0x1C, s28;
	v14 =	vmul.f32 v17, v8;
	v16 =	vadd.f32 v18, v16;
	v17 =	vld [tilespmem:s19+$0xFFFFFF50]  }
0x16e: {  	v15 =	vadd.f32 v22, v15;
	v18 =	vld [tilespmem:s19+$0xFFFFFE60];
	v20 =	vmul.f32 v20, v8;
	v22 =	vmov s5;
	s5 =	sadd.s32 s8, s22  }
0x16f: {  	v23 =	vmul.f32 v24, v9;
	v24 =	vadd.f32 v14, v13;
	v25 =	vld [tilespmem:s19+$0xFFFFFEE0];
	v14 =	vmov s5;
	s5 =	sadd.s32 s26, s7  }
0x170: {  	v16 =	vadd.f32 v20, v16;
	v20 =	vld [tilespmem:s19+$0xFFFFFF60];
	(v2sf) =	vpush v19, $0x0;
	v13 =	vmov s5  }
0x171: {  	v15 =	vadd.f32 v23, v15;
	v19 =	vld [tilespmem:s19+$0xFFFFFE70];
	v21 =	vmul.f32 v21, v9  }
0x172: {  	v23 =	vld [tilespmem:s19+$0xFFFFFEF0];
	v17 =	vmul.f32 v17, v9  }
0x173: {  	v18 =	vmul.f32 v18, v10;
	v21 =	vadd.f32 v21, v24;
	v24 =	vld [tilespmem:s19+$0xFFFFFF70];
	s5 =	spop (v2sf)  }
0x174: {  	v26 =	vld [tilespmem:s19+$0xFFFFFE80];
	v29 =	vmul.f32 v25, v10;
	v27 =	vadd.f32 v17, v16;
	s5 =	sadd.f32 s5, s3  }
.Ltmp8:
0x175: {  	v15 =	vadd.f32 v18, v15;
	v18 =	vld [tilespmem:s19+$0xFFFFFF00];
	v20 =	vmul.f32 v20, v10;
	(pc) =	sbr.rel @p0 .LBB2_12-.Ltmp8, $4  }
0x176: {  	v19 =	vmul.f32 v19, v11;
	v28 =	vadd.f32 v29, v21;
	v17 =	vld [tilespmem:s19+$0xFFFFFF80];
	v25, _, _ =	vpop (xrf2);
	v29 =	vmov s5;
	s5 =	spop (v2sf)  }
0x177: {  	v16 =	vld [tilespmem:s17+$0xFFFFFFFE];
	v23 =	vmul.f32 v23, v11;
	v21 =	vadd.f32 v20, v27;
	(v2sf) =	vpush v25, $0xF;
	[tilespmem:v22+s25+$0x0] =	vst.idx.msk $0x1, v29;
	s5 =	sadd.f32 s5, s3  }
0x178: {  	v22 =	vadd.f32 v19, v15;
	v19 =	vld [tilespmem:s17+$0xFFFFFFFF];
	v25 =	vmul.f32 v24, v11  }
0x179: {  	s19 =	sadd.s32 $0x200, s19;
	v24 =	vmul.f32 v26, v12;
	v23 =	vadd.f32 v23, v28;
	v20 =	vld [tilespmem:s17+$0x0];
	v15 =	vmov s5;
	s22 =	spop (v2sf)  }
0x17a: {  	v18 =	vmul.f32 v18, v12  }
0x17b: {  	v22 =	vadd.f32 v24, v22  }
0x17c: {  	v21 =	vadd.f32 v25, v21;
	v17 =	vmul.f32 v17, v12;
	v18 =	vadd.f32 v18, v23  }
0x17d: {  	(xrf2) =	vadd.scan.msk.f32 $0xffff, v22  }
0x17e: {  	v17 =	vadd.f32 v17, v21;
	(xrf2) =	vadd.scan.msk.f32 $0xffff, v18;
	_ =	sdelay $0x1  }
0x17f: {  	(xrf2) =	vadd.scan.msk.f32 $0xffff, v17;
	_ =	sdelay $0x1  }
0x180: {  	(v2sf) =	vpush v16, $0x0  }
0x181: {  	(v2sf) =	vpush v19, $0x0  }
0x182: {  	(v2sf) =	vpush v20, $0x0;
	_ =	sdelay $0x2  }
0x183: {  	v58, _, _ =	vpop (xrf2)  }
0x184: {  	(v2sf) =	vpush v58, $0xF;
	v59, _, _ =	vpop (xrf2)  }
0x185: {  	(v2sf) =	vpush v59, $0xF  }
0x186: {  	v60, _, _ =	vpop (xrf2)  }
0x187: {  	(v2sf) =	vpush v60, $0xF  }
0x188: {  	s5 =	spop (v2sf)  }
0x189: {  	s7 =	sand.u32 $0x3FFF, s5  }
0x18a: {  	s7 =	ssub.s32 s7, s6  }
0x18b: {  	s7 =	smul.u32 $0x1C, s7  }
0x18c: {  	s5 =	sshrl.u32 s5, $0xE;
	s8 =	spop (v2sf)  }
0x18d: {  	s29 =	sadd.f32 s22, s3;
	s5 =	sadd.s32 s5, s7;
	s17 =	spop (v2sf)  }
0x18e: {  	s8 =	sadd.f32 s8, s3;
	s30 =	sand.u32 $0x3FFF, s17;
	s18 =	spop (v2sf)  }
0x18f: {  	s7 =	ssub.s32 s30, s6;
	s19 =	sand.u32 $0x3FFF, s18;
	s26 =	spop (v2sf)  }
0x190: {  	s19 =	ssub.s32 s19, s6;
	s28 =	sand.u32 $0x3FFF, s26;
	s7 =	smul.u32 $0x1C, s7  }
0x191: {  	s17 =	sshrl.u32 s17, $0xE;
	s28 =	ssub.s32 s28, s6;
	s19 =	smul.u32 $0x1C, s19  }
0x192: {  	v61 =	vmov s5;
	s18 =	sshrl.u32 s18, $0xE;
	s17 =	sadd.s32 s17, s7;
	s28 =	smul.u32 $0x1C, s28  }
0x193: {  	s30 =	sshrl.u32 s26, $0xE;
	v62 =	vmov s17;
	s7 =	sadd.s32 s18, s19;
	s22 =	spop (v2sf)  }
0x194: {  	v63 =	vmov s7;
	s19 =	sadd.s32 s30, s28;
	s26 =	sadd.f32 s22, s3;
	s28 =	spop (v2sf)  }
0x195: {  	[tilespmem:v14+s25+$0x0] =	vst.idx.msk $0x1, v15;
	v14 =	vmov s29;
	v15 =	vmov s19;
	s7 =	sadd.f32 s28, s3  }
.Ltmp9:
0x196: {  	[tilespmem:v13+s25+$0x0] =	vst.idx.msk $0x1, v14;
	v13 =	vmov s8;
	s29 =	spop (v2sf);
	(pc) =	sbr.rel .LBB2_14-.Ltmp9, $4  }
0x197: {  	[tilespmem:v61+s25+$0x0] =	vst.idx.msk $0x1, v13;
	v13 =	vmov s26;
	s30 =	sadd.f32 s29, s3  }
0x198: {  	[tilespmem:v62+s25+$0x0] =	vst.idx.msk $0x1, v13;
	v13 =	vmov s7  }
0x199: {  	[tilespmem:v63+s25+$0x0] =	vst.idx.msk $0x1, v13;
	v13 =	vmov s30  }
0x19a: {  	[tilespmem:v15+s25+$0x0] =	vst.idx.msk $0x1, v13  }
.LBB2_15:
0x19b: {  	s0 =	simm.s32 $0x0  }
0x19c: {  	[hbm4b:s9+s0] =	stream.linear.scatter [tilespmem:s25], [sflag:$0x3], $0x3800, $0x38;
	[tilespmem:$0xF880] =	vst v63  }
0x19d: {  	_ =	swait.ge [sflag:s16], $0x3800  }
0x19e: {  	[sflag:s16] =	ssyncset.done $0x0  }
0x19f: {  	s0 =	simm.s32 $0x0;
	[sflag:s16] =	ssyncadd.s32 $0xFFFFC800  }
0x1a0: {  	v5 =	vld [tilespmem:s0+$0x280];
	_ =	sdelay $0x3  }
0x1a1: {  	s3 =	simm.s32 $0x40;
	s2 =	smov.u32 s15  }
.LBB2_16:
0x1a2: {  	s5 =	sshra.s32 s3, $0x2;
	p0 =	sne.s32 s3, $0x7C0;
	s3 =	sadd.s32 $0x40, s3;
	v6 =	vshll.u32 v5, $0xE  }
.Ltmp10:
0x1a3: {  	v5 =	vld [tilespmem:s5+$0x280];
	v6 =	vadd.s32 s2, v6;
	(pc) =	sbr.rel @p0 .LBB2_16-.Ltmp10, $3  }
0x1a4: {  	v6 =	vor.u32 v0, v6  }
0x1a5: {  	[tilespmem:s0+$0x3D80] =	vst v6;
	s0 =	smov.u32 s5;
	_ =	sdelay $0x1  }
0x1a6: {  	s2 =	sadd.s32 $0x10, s2  }
0x1a7: {  	v5 =	vshll.u32 v5, $0xE  }
0x1a8: {  	v5 =	vadd.s32 s2, v5  }
0x1a9: {  	v5 =	vor.u32 v0, v5  }
0x1aa: {  	s26 =	simm.s32 $0x3D80;
	[tilespmem:s0+$0x3D80] =	vst v5  }
0x1ab: {  	[tilespmem:s23], [sflag:$0x1] =	stream.indirect.gather [hbm4b:s1+s21], $0x80, s26, s21, $0xb8;
	[tilespmem:$0xF880] =	vst v63  }
0x1ac: {  	_ =	swait.ge [sflag:s20], $0x4000  }
0x1ad: {  	[sflag:s20] =	ssyncset.done $0x0  }
0x1ae: {  	[sflag:s20] =	ssyncadd.s32 $0xFFFFC000  }
0x1af: {  	[hbm4b:s10+s4] =	stream.linear.scatter [tilespmem:s23], [sflag:$0x3], $0x4000, $0x38;
	[tilespmem:$0xF880] =	vst v63  }
0x1b0: {  	_ =	swait.ge [sflag:s16], $0x4000  }
0x1b1: {  	[sflag:s16] =	ssyncset.done $0x0  }
0x1b2: {  	s28 =	simm.s32 $0x3E00;
	[sflag:s16] =	ssyncadd.s32 $0xFFFFC000  }
0x1b3: {  	[tilespmem:s23], [sflag:$0x1] =	stream.indirect.gather [hbm4b:s1+s21], $0x80, s28, s21, $0xb8;
	[tilespmem:$0xF880] =	vst v63  }
0x1b4: {  	_ =	swait.ge [sflag:s20], $0x4000  }
0x1b5: {  	[sflag:s20] =	ssyncset.done $0x0  }
0x1b6: {  	[sflag:s20] =	ssyncadd.s32 $0xFFFFC000  }
0x1b7: {  	[hbm4b:s11+s4] =	stream.linear.scatter [tilespmem:s23], [sflag:$0x3], $0x4000, $0x38;
	[tilespmem:$0xF880] =	vst v63  }
0x1b8: {  	_ =	swait.ge [sflag:s16], $0x4000  }
0x1b9: {  	[sflag:s16] =	ssyncset.done $0x0  }
0x1ba: {  	s29 =	simm.s32 $0x3E80;
	[sflag:s16] =	ssyncadd.s32 $0xFFFFC000  }
0x1bb: {  	[tilespmem:s23], [sflag:$0x1] =	stream.indirect.gather [hbm4b:s1+s21], $0x80, s29, s21, $0xb8;
	[tilespmem:$0xF880] =	vst v63  }
0x1bc: {  	_ =	swait.ge [sflag:s20], $0x4000  }
0x1bd: {  	[sflag:s20] =	ssyncset.done $0x0  }
0x1be: {  	[sflag:s20] =	ssyncadd.s32 $0xFFFFC000  }
0x1bf: {  	[hbm4b:s12+s4] =	stream.linear.scatter [tilespmem:s23], [sflag:$0x3], $0x4000, $0x38;
	[tilespmem:$0xF880] =	vst v63  }
0x1c0: {  	_ =	swait.ge [sflag:s16], $0x4000  }
0x1c1: {  	[sflag:s16] =	ssyncset.done $0x0  }
0x1c2: {  	s30 =	simm.s32 $0x3F00;
	[sflag:s16] =	ssyncadd.s32 $0xFFFFC000  }
0x1c3: {  	[tilespmem:s23], [sflag:$0x1] =	stream.indirect.gather [hbm4b:s1+s21], $0x80, s30, s21, $0xb8;
	[tilespmem:$0xF880] =	vst v63  }
0x1c4: {  	s31 =	sadd.s32 $0x1, s31;
	_ =	swait.ge [sflag:s20], $0x4000  }
0x1c5: {  	p0 =	sne.s32 s31, s14;
	[sflag:s20] =	ssyncset.done $0x0  }
.Ltmp11:
0x1c6: {  	[sflag:s20] =	ssyncadd.s32 $0xFFFFC000;
	(pc) =	sbr.rel @p0 .LBB2_1-.Ltmp11, $4  }
0x1c7: {  	[hbm4b:s13+s4] =	stream.linear.scatter [tilespmem:s23], [sflag:$0x3], $0x4000, $0x38;
	[tilespmem:$0xF880] =	vst v63  }
0x1c8: {  	_ =	swait.ge [sflag:s16], $0x4000  }
0x1c9: {  	[sflag:s16] =	ssyncset.done $0x0  }
0x1ca: {  	[sflag:s16] =	ssyncadd.s32 $0xFFFFC000  }
0x1cb: {  	_ =	sfence.sel $0x180000  }
0x1cc: {  	[bflag:$0x0] =	sbarrier.arrive $0xFFFF  }
0x1cd: {  	_ =	strace $0x90000047  }
0x1ce: {  	s0 =	stileid.u32;
	[bflag:$0x2] =	sbarrier.arrive $0xFFFF  }
0x1cf: {  	p0 =	sne.s32 s0, $0x0;
	s0 =	rddreg [dreg:$0x6]  }
0x1d0: {  	s0 =	sadd.s32 @!p0 $0x100000, s0  }
0x1d1: {  	[sflag:s0] =	ssyncadd.tile.s32 @!p0 $0x1;
	_ =	shalt  }
.Lfunc_end2:
_tile_overlayer_lowered:
.L_overlay_start_2:
0x1d2: {  	(tag) =	ssettag $0x2  }
0x1d3: {  	s0 =	rddreg [dreg:$0x0];
	s2 =	stileid.u32  }
0x1d4: {  	s1 =	rddreg [dreg:$0x1];
	p0 =	sne.s32 s2, $0x0  }
0x1d5: {  	s3 =	rddreg [dreg:$0x2];
	[bflag:$0x3] =	sbarrier.arrive $0xFFFF;
	s2 =	simm.s32 @!p0 $0x1C03  }
0x1d6: {  	[timem:s3], [sflag:s2] =	dma.local @!p0 [hbm:s0], s1  }
0x1d7: {  	s0 =	simm.s32 @!p0 $0x3  }
0x1d8: {  	_ =	swait.ge @!p0 [sflag:s0], s1  }
0x1d9: {  	s1 =	ssub.s32 @!p0 $0x0, s1;
	[sflag:s0] =	ssyncset.done @!p0 $0x0  }
0x1da: {  	[sflag:s0] =	ssyncadd.s32 @!p0 s1  }
0x1db: {  	[bflag:$0x3] =	sbarrier.arrive $0xFFFF  }
0x1dc: {  	_ =	shalt  }

</sc_bundles>
